<compile_context>
chip_gen: v7x
topology: tpu7x:2x2x1
jax: 0.10.2.dev20260603
libtpu: 0.0.44.dev20260713+nightly
codegen_flags: <defaults>
</compile_context>

<pallas_src>
import functools
import math

import jax
import jax.numpy as jnp
from jax import lax
from jax.experimental import pallas as pl
from jax.experimental.pallas import tpu as pltpu
from jax.experimental.pallas import tpu_sc as plsc

N_NODES = 50000
N_PATHS = 100000
N_ENTRIES = 1600000
T = 6
F = 4

NC, NS = 2, 16
E_PAD = N_ENTRIES
CHUNK = 6400
N_TAB = 51200
P_PAD = 100352
H = P_PAD // 2
DUMMY = 1024
A_ROWS = H + DUMMY
OUT_PER_SUB = H // NS


def _table_body(x_ref, o_ref):
    inv = 1.0 / x_ref[0:1, :]
    r = jnp.exp(-inv)
    hs = []
    p = inv
    for _t in range(T):
        hs.append(p)
        p = p * r
    rows = []
    angs = []
    for f in range(F):
        re = None
        im = None
        for t in range(T):
            c = math.cos(2.0 * math.pi * f * t / T)
            s = -math.sin(2.0 * math.pi * f * t / T)
            term_re = hs[t] * c if c != 0.0 else None
            term_im = hs[t] * s if s != 0.0 else None
            if term_re is not None:
                re = term_re if re is None else re + term_re
            if term_im is not None:
                im = term_im if im is None else im + term_im
        if im is None:
            im = jnp.zeros_like(re)
        rows.append(jnp.log(jnp.sqrt(re * re + im * im) + 1e-12))
        angs.append(jnp.arctan2(im, re))
    o_ref[:, :] = jnp.concatenate(rows + angs, axis=0).T


def _build_table(x):
    L = 2048
    grid = N_TAB // L
    xt = jnp.pad(x[:, 0], (0, N_TAB - N_NODES),
                 constant_values=1.0).reshape(1, N_TAB)
    return pl.pallas_call(
        _table_body,
        grid=(grid,),
        in_specs=[pl.BlockSpec((1, L), lambda i: (0, i))],
        out_specs=pl.BlockSpec((L, 8), lambda i: (i, 0)),
        out_shape=jax.ShapeDtypeStruct((N_TAB, 8), jnp.float32),
    )(xt)


def _seg_body(table, nodes, lidx, zeros, bounds, out, nodes_v, idxs_v,
              rows_v, bnd_v, acc, sem):
    c = lax.axis_index("c")
    s = lax.axis_index("s")
    pltpu.sync_copy(bounds.at[pl.ds(c * 32, 32)], bnd_v)
    bvec0 = bnd_v[pl.ds(0, 16)]
    bvec1 = bnd_v[pl.ds(16, 16)]
    start = bvec0[0]
    stop = bvec1[0]
    pltpu.sync_copy(zeros.at[pl.ds(s * OUT_PER_SUB, OUT_PER_SUB)],
                    acc.at[pl.ds(s * OUT_PER_SUB, OUT_PER_SUB)])
    plsc.subcore_barrier()

    @pl.loop(start + s, stop, step=NS)
    def _chunk(k):
        off = k * CHUNK
        pltpu.sync_copy(nodes.at[pl.ds(off, CHUNK)], nodes_v)
        pltpu.sync_copy(lidx.at[pl.ds(c * E_PAD + off, CHUNK)], idxs_v)
        pltpu.async_copy(table.at[nodes_v], rows_v, sem).wait()
        pltpu.sync_copy(rows_v, acc.at[idxs_v], add=True)

    plsc.subcore_barrier()
    pltpu.sync_copy(acc.at[pl.ds(s * OUT_PER_SUB, OUT_PER_SUB)],
                    out.at[pl.ds(c * H + s * OUT_PER_SUB, OUT_PER_SUB)])


@functools.cache
def _seg_call():
    return pl.kernel(
        _seg_body,
        mesh=plsc.VectorSubcoreMesh(core_axis_name="c", subcore_axis_name="s",
                                    num_cores=NC),
        compiler_params=pltpu.CompilerParams(use_tc_tiling_on_sc=False),
        out_type=jax.ShapeDtypeStruct((P_PAD, 8), jnp.float32),
        scratch_types=[
            pltpu.VMEM((CHUNK,), jnp.int32),
            pltpu.VMEM((CHUNK,), jnp.int32),
            pltpu.VMEM((CHUNK, 8), jnp.float32),
            pltpu.VMEM((32,), jnp.int32),
            pltpu.VMEM_SHARED((A_ROWS, 8), jnp.float32),
            pltpu.SemaphoreType.DMA,
        ],
    )


def _post_body(p_ref, o_ref):
    pt = p_ref[:, :].T
    mag = [jnp.exp(pt[f:f + 1, :]) for f in range(F)]
    ang = [pt[F + f:F + f + 1, :] for f in range(F)]
    re = [mag[f] * jnp.cos(ang[f]) for f in range(F)]
    im = [mag[f] * jnp.sin(ang[f]) for f in range(F)]
    ys = []
    for t in range(T):
        acc = re[0] + ((-1.0) ** t) * re[3]
        for f in (1, 2):
            cf = math.cos(2.0 * math.pi * f * t / T)
            sf = math.sin(2.0 * math.pi * f * t / T)
            acc = acc + 2.0 * (re[f] * cf - im[f] * sf)
        ys.append(acc * (1.0 / T))
    zs = [jnp.maximum(ys[T - 1 - t], 0.0) for t in range(T)]
    tot = zs[0]
    for t in range(1, T):
        tot = tot + zs[t]
    inv_tot = 1.0 / tot
    o_ref[:, :] = jnp.concatenate([z * inv_tot for z in zs], axis=0)


def _postprocess(part):
    L = 2048
    grid = P_PAD // L
    out_t = pl.pallas_call(
        _post_body,
        grid=(grid,),
        in_specs=[pl.BlockSpec((L, 8), lambda i: (i, 0))],
        out_specs=pl.BlockSpec((6, L), lambda i: (0, i)),
        out_shape=jax.ShapeDtypeStruct((6, P_PAD), jnp.float32),
    )(part)
    return out_t.T


def kernel(x, path_idxs, path_nodes, coords):
    table = _build_table(x)
    dummy_rows = H + (jnp.arange(E_PAD, dtype=jnp.int32) % DUMMY)
    lidx = []
    for c in range(NC):
        loc = path_idxs - c * H
        lidx.append(jnp.where((loc >= 0) & (loc < H), loc, dummy_rows))
    lidx = jnp.concatenate(lidx)
    nodes_p = path_nodes
    split = jnp.sum(path_idxs < H).astype(jnp.int32)
    nch = E_PAD // CHUNK
    c0 = (split + CHUNK - 1) // CHUNK
    f1 = split // CHUNK
    bounds = jnp.concatenate([
        jnp.zeros((16,), jnp.int32),
        jnp.full((16,), c0, jnp.int32),
        jnp.full((16,), f1, jnp.int32),
        jnp.full((16,), nch, jnp.int32),
    ])
    zeros = jnp.zeros((H, 8), jnp.float32)
    part = _seg_call()(table, nodes_p, lidx, zeros, bounds)
    out = _postprocess(part)
    return out[:N_PATHS]

# --- scband reference (transcript-rebuilt; emitter-appended) ---
"""Pipeline reference for scband-routing-irfaggregator-43173011259883 (READ-ONLY COPY).

The authoritative reference and input builder live on the scoring server;
editing this copy changes nothing except your own understanding.
"""

import jax, jax.numpy as jnp
import numpy as np

N_NODES = 50000
N_PATHS = 100000
N_ENTRIES = 1600000
MAX_DELAY = 6
DT = 1.0
CASCADE = 1


def setup_inputs(seed: int = 0) -> dict:
    key = jax.random.key(seed)
    k1, k2, k3, k4 = jax.random.split(key, 4)
    # positive storage coefficients (linear-storage IRF params), one per node
    x = 0.5 + 2.0 * jax.random.uniform(k1, (N_NODES, 1), dtype=jnp.float32)
    # buffers normally precomputed from the river-network DAG g in init_buffers():
    # path_idxs: segment id (which source->dest path) of each path entry (sorted)
    path_idxs = jnp.sort(jax.random.randint(k2, (N_ENTRIES,), 0, N_PATHS, dtype=jnp.int32))
    # path_nodes: node id visited at each path entry
    path_nodes = jax.random.randint(k3, (N_ENTRIES,), 0, N_NODES, dtype=jnp.int32)
    # coords: (src,dst) coordinates of each path for the BlockSparseTensor output
    coords = jax.random.randint(k4, (2, N_PATHS), 0, N_NODES, dtype=jnp.int32)
    return {"x": x, "path_idxs": path_idxs, "path_nodes": path_nodes, "coords": coords}


def _linear_storage_irf(params, time_window, dt):
    # IRF_FN['linear_storage']: h(t) = (1/k) * exp(-t/k)
    steps = int(round(1.0 / dt))
    T = time_window * steps
    t = jnp.arange(T, dtype=jnp.float32) * dt
    k = params[:, 0]  # [N]
    return (1.0 / k)[:, None] * jnp.exp(-t[None, :] / k[:, None])  # [N, T]


def reference(x, path_idxs, path_nodes, coords):
    steps = int(round(1.0 / DT))
    T = MAX_DELAY * steps  # time_window_expanded
    # per-node impulse response functions
    irfs = _linear_storage_irf(x, MAX_DELAY, DT)  # squeeze(): already [N, T]
    irfs_freq = jnp.fft.rfft(irfs, n=T, axis=-1)  # [N, F] complex
    # IRF_AGGREGATE_FN['log_triton']: convolution along each path == product in
    # frequency domain == exp(segment_sum(log)); cascade scales the log (Nash cascade)
    g = jnp.take(irfs_freq, path_nodes, axis=0)  # gather: [E, F]
    log_re = jnp.log(jnp.abs(g) + 1e-12)
    log_im = jnp.angle(g)
    s_re = jax.ops.segment_sum(log_re, path_idxs, num_segments=N_PATHS)  # [P, F]
    s_im = jax.ops.segment_sum(log_im, path_idxs, num_segments=N_PATHS)  # [P, F]
    mag = jnp.exp(CASCADE * s_re)
    ang = CASCADE * s_im
    irfs_freq_agg = jax.lax.complex(mag * jnp.cos(ang), mag * jnp.sin(ang))
    irfs_agg = jnp.fft.irfft(irfs_freq_agg, n=T, axis=-1)  # [P, T]
    irfs_agg = jax.nn.relu(irfs_agg)
    # sampler.phi_k on flipped series (avg mode); with dt=1 the pooling window is 1
    irfs_agg = jnp.flip(irfs_agg, axis=-1)
    if steps > 1:
        irfs_agg = irfs_agg.reshape(irfs_agg.shape[0], -1, steps).mean(-1)
    irfs_agg = irfs_agg / jnp.sum(irfs_agg, axis=-1, keepdims=True)
    # BlockSparseTensor.from_coo(coords, irfs_agg, ...): values of the sparse
    # [n_nodes, n_nodes, max_delay] tensor; return the value block
    return irfs_agg

if __name__ == "__main__":
    import jax
    _d = setup_inputs()
    print(jax.jit(kernel)(*tuple(_d.values())))

</pallas_src>

<mosaic_0001>
#map = affine_map<(d0, d1) -> (0, 0)>
#map1 = affine_map<(d0, d1) -> (0)>
module attributes {stable_mosaic.version = 14 : i64} {
  func.func @_seg_body(%arg0: i32, %arg1: i32, %arg2: memref<51200x8xf32, #tpu.memory_space<hbm>>, %arg3: memref<1600000xi32, #tpu.memory_space<hbm>>, %arg4: memref<3200000xi32, #tpu.memory_space<hbm>>, %arg5: memref<50176x8xf32, #tpu.memory_space<hbm>>, %arg6: memref<64xi32, #tpu.memory_space<hbm>>, %arg7: memref<100352x8xf32, #tpu.memory_space<hbm>>, %arg8: memref<6400xi32, #tpu.memory_space<vmem>>, %arg9: memref<6400xi32, #tpu.memory_space<vmem>>, %arg10: memref<6400x8xf32, #tpu.memory_space<vmem>>, %arg11: memref<32xi32, #tpu.memory_space<vmem>>, %arg12: memref<51200x8xf32, #tpu.memory_space<vmem_shared>>, %arg13: memref<!tpu.dma_semaphore, #tpu.memory_space<semaphore_mem>>) attributes {dimension_semantics = [#tpu.dimension_semantics<core_parallel>, #tpu.dimension_semantics<subcore_parallel>], iteration_bounds = array<i64: 2, 16>, scalar_prefetch = 0 : i64, scratch_operands = 6 : i64, tpu.core_type = #tpu.core_type<sc_vector_subcore>, window_params = [{transform_indices = #map}, {transform_indices = #map1}, {transform_indices = #map1}, {transform_indices = #map}, {transform_indices = #map1}, {transform_indices = #map}]} {
    %mul3A = arith.constant 32 : i32
    %mul3A_0 = arith.muli %arg0, %mul3A : i32
    "tpu.region"() ({
      %run_scoped3A = tpu.sem_alloc : memref<!tpu.dma_semaphore, #tpu.memory_space<semaphore_mem>>
      %dma_start3A = tpu.memref_slice %arg6[%mul3A_0] : memref<64xi32, #tpu.memory_space<hbm>> -> memref<32xi32, #tpu.memory_space<hbm>>
      %dma_start3A_34 = tpu.memref_slice %arg6[%mul3A_0] : memref<64xi32, #tpu.memory_space<hbm>> -> memref<32xi32, #tpu.memory_space<hbm>>
      tpu.enqueue_dma source(%dma_start3A_34 : memref<32xi32, #tpu.memory_space<hbm>>) target(%arg11 : memref<32xi32, #tpu.memory_space<vmem>>) target_semaphore(%run_scoped3A : memref<!tpu.dma_semaphore, #tpu.memory_space<semaphore_mem>>)
      %dma_wait3A = tpu.memref_slice %arg6[%mul3A_0] : memref<64xi32, #tpu.memory_space<hbm>> -> memref<32xi32, #tpu.memory_space<hbm>>
      %dma_wait3A_35 = tpu.memref_slice %arg6[%mul3A_0] : memref<64xi32, #tpu.memory_space<hbm>> -> memref<32xi32, #tpu.memory_space<hbm>>
      tpu.wait_dma2 semaphore(%run_scoped3A : memref<!tpu.dma_semaphore, #tpu.memory_space<semaphore_mem>>) src(%dma_wait3A_35 : memref<32xi32, #tpu.memory_space<hbm>>) dst(%arg11 : memref<32xi32, #tpu.memory_space<vmem>>)
      tpu.yield
    }) : () -> ()
    %get3A = arith.constant 0 : index
    %get3A_1 = tpu.vector_load %arg11[%get3A] {strides = array<i32>} : memref<32xi32, #tpu.memory_space<vmem>>, vector<16xi32>,
    %get3A_2 = vector.shape_cast %get3A_1 : vector<16xi32> to vector<16xi32>
    %get3A_3 = arith.constant 16 : index
    %get3A_4 = tpu.vector_load %arg11[%get3A_3] {strides = array<i32>} : memref<32xi32, #tpu.memory_space<vmem>>, vector<16xi32>,
    %get3A_5 = vector.shape_cast %get3A_4 : vector<16xi32> to vector<16xi32>
    %slice3A = vector.extract_strided_slice %get3A_2 {offsets = [0], sizes = [1], strides = [1]} : vector<16xi32> to vector<1xi32>
    %squeeze3A = vector.extract %slice3A[0] : i32 from vector<1xi32>
    %slice3A_6 = vector.extract_strided_slice %get3A_5 {offsets = [0], sizes = [1], strides = [1]} : vector<16xi32> to vector<1xi32>
    %squeeze3A_7 = vector.extract %slice3A_6[0] : i32 from vector<1xi32>
    %mul3A_8 = arith.constant 3136 : i32
    %mul3A_9 = arith.muli %arg1, %mul3A_8 : i32
    %mul3A_10 = arith.constant 3136 : i32
    %mul3A_11 = arith.muli %arg1, %mul3A_10 : i32
    "tpu.region"() ({
      %run_scoped3A = tpu.sem_alloc : memref<!tpu.dma_semaphore, #tpu.memory_space<semaphore_mem>>
      %dma_start3A = arith.constant 0 : i32
      %dma_start3A_34 = tpu.memref_slice %arg12[%mul3A_11, %dma_start3A] : memref<51200x8xf32, #tpu.memory_space<vmem_shared>> -> memref<3136x8xf32, #tpu.memory_space<vmem_shared>>
      %dma_start3A_35 = arith.constant 0 : i32
      %dma_start3A_36 = tpu.memref_slice %arg5[%mul3A_9, %dma_start3A_35] : memref<50176x8xf32, #tpu.memory_space<hbm>> -> memref<3136x8xf32, #tpu.memory_space<hbm>>
      tpu.enqueue_dma source(%dma_start3A_36 : memref<3136x8xf32, #tpu.memory_space<hbm>>) target(%dma_start3A_34 : memref<3136x8xf32, #tpu.memory_space<vmem_shared>>) target_semaphore(%run_scoped3A : memref<!tpu.dma_semaphore, #tpu.memory_space<semaphore_mem>>)
      %dma_wait3A = arith.constant 0 : i32
      %dma_wait3A_37 = tpu.memref_slice %arg12[%mul3A_11, %dma_wait3A] : memref<51200x8xf32, #tpu.memory_space<vmem_shared>> -> memref<3136x8xf32, #tpu.memory_space<vmem_shared>>
      %dma_wait3A_38 = arith.constant 0 : i32
      %dma_wait3A_39 = tpu.memref_slice %arg5[%mul3A_9, %dma_wait3A_38] : memref<50176x8xf32, #tpu.memory_space<hbm>> -> memref<3136x8xf32, #tpu.memory_space<hbm>>
      tpu.wait_dma2 semaphore(%run_scoped3A : memref<!tpu.dma_semaphore, #tpu.memory_space<semaphore_mem>>) src(%dma_wait3A_39 : memref<3136x8xf32, #tpu.memory_space<hbm>>) dst(%dma_wait3A_37 : memref<3136x8xf32, #tpu.memory_space<vmem_shared>>)
      tpu.yield
    }) : () -> ()
    %barrier3A = arith.constant 0 : index
    tpu.barrier barrier_id(%barrier3A)
    %add3A = arith.addi %squeeze3A, %arg1 : i32
    %sub3A = arith.subi %squeeze3A_7, %add3A : i32
    %sub3A_12 = arith.constant 16 : i32
    %sub3A_13 = arith.constant 1 : i32
    %sub3A_14 = arith.subi %sub3A_12, %sub3A_13 : i32
    %add3A_15 = arith.addi %sub3A, %sub3A_14 : i32
    %div3A = arith.constant 16 : i32
    %div3A_16 = arith.divsi %add3A_15, %div3A : i32
    %while3A = arith.constant 16 : i32
    %while3A_17 = arith.constant 0 : i32
    %while3A_18 = arith.subi %div3A_16, %while3A_17 : i32
    %while3A_19 = arith.addi %while3A_17, %while3A_18 : i32
    %while3A_20 = arith.constant 1 : i32
    %while3A_21 = arith.divsi %while3A_18, %while3A_20 : i32
    %while3A_22 = arith.muli %while3A_21, %while3A_20 : i32
    %while3A_23 = arith.addi %while3A_17, %while3A_22 : i32
    %while3A_24 = arith.constant 1 : i32
    scf.for %while3A_34 = %while3A_17 to %while3A_23 step %while3A_24  : i32 {
      %mul3A_35 = arith.muli %while3A_34, %while3A : i32
      %add3A_36 = arith.addi %add3A, %mul3A_35 : i32
      %mul3A_37 = arith.constant 6400 : i32
      %mul3A_38 = arith.muli %add3A_36, %mul3A_37 : i32
      "tpu.region"() ({
        %run_scoped3A = tpu.sem_alloc : memref<!tpu.dma_semaphore, #tpu.memory_space<semaphore_mem>>
        %dma_start3A_46 = tpu.memref_slice %arg3[%mul3A_38] : memref<1600000xi32, #tpu.memory_space<hbm>> -> memref<6400xi32, #tpu.memory_space<hbm>>
        %dma_start3A_47 = tpu.memref_slice %arg3[%mul3A_38] : memref<1600000xi32, #tpu.memory_space<hbm>> -> memref<6400xi32, #tpu.memory_space<hbm>>
        tpu.enqueue_dma source(%dma_start3A_47 : memref<6400xi32, #tpu.memory_space<hbm>>) target(%arg8 : memref<6400xi32, #tpu.memory_space<vmem>>) target_semaphore(%run_scoped3A : memref<!tpu.dma_semaphore, #tpu.memory_space<semaphore_mem>>)
        %dma_wait3A_48 = tpu.memref_slice %arg3[%mul3A_38] : memref<1600000xi32, #tpu.memory_space<hbm>> -> memref<6400xi32, #tpu.memory_space<hbm>>
        %dma_wait3A_49 = tpu.memref_slice %arg3[%mul3A_38] : memref<1600000xi32, #tpu.memory_space<hbm>> -> memref<6400xi32, #tpu.memory_space<hbm>>
        tpu.wait_dma2 semaphore(%run_scoped3A : memref<!tpu.dma_semaphore, #tpu.memory_space<semaphore_mem>>) src(%dma_wait3A_49 : memref<6400xi32, #tpu.memory_space<hbm>>) dst(%arg8 : memref<6400xi32, #tpu.memory_space<vmem>>)
        tpu.yield
      }) : () -> ()
      %mul3A_39 = arith.constant 1600000 : i32
      %mul3A_40 = arith.muli %arg0, %mul3A_39 : i32
      %add3A_41 = arith.addi %mul3A_40, %mul3A_38 : i32
      "tpu.region"() ({
        %run_scoped3A = tpu.sem_alloc : memref<!tpu.dma_semaphore, #tpu.memory_space<semaphore_mem>>
        %dma_start3A_46 = tpu.memref_slice %arg4[%add3A_41] : memref<3200000xi32, #tpu.memory_space<hbm>> -> memref<6400xi32, #tpu.memory_space<hbm>>
        %dma_start3A_47 = tpu.memref_slice %arg4[%add3A_41] : memref<3200000xi32, #tpu.memory_space<hbm>> -> memref<6400xi32, #tpu.memory_space<hbm>>
        tpu.enqueue_dma source(%dma_start3A_47 : memref<6400xi32, #tpu.memory_space<hbm>>) target(%arg9 : memref<6400xi32, #tpu.memory_space<vmem>>) target_semaphore(%run_scoped3A : memref<!tpu.dma_semaphore, #tpu.memory_space<semaphore_mem>>)
        %dma_wait3A_48 = tpu.memref_slice %arg4[%add3A_41] : memref<3200000xi32, #tpu.memory_space<hbm>> -> memref<6400xi32, #tpu.memory_space<hbm>>
        %dma_wait3A_49 = tpu.memref_slice %arg4[%add3A_41] : memref<3200000xi32, #tpu.memory_space<hbm>> -> memref<6400xi32, #tpu.memory_space<hbm>>
        tpu.wait_dma2 semaphore(%run_scoped3A : memref<!tpu.dma_semaphore, #tpu.memory_space<semaphore_mem>>) src(%dma_wait3A_49 : memref<6400xi32, #tpu.memory_space<hbm>>) dst(%arg9 : memref<6400xi32, #tpu.memory_space<vmem>>)
        tpu.yield
      }) : () -> ()
      %dma_start3A = arith.constant 0 : i32
      %dma_start3A_42 = arith.constant 0 : i32
      %dma_start3A_43 = tpu.memref_slice %arg2[%dma_start3A, %dma_start3A_42] : memref<51200x8xf32, #tpu.memory_space<hbm>> -> memref<51200x8xf32, #tpu.memory_space<hbm>>
      tpu.enqueue_indirect_dma source(%dma_start3A_43 : memref<51200x8xf32, #tpu.memory_space<hbm>>) target(%arg10 : memref<6400x8xf32, #tpu.memory_space<vmem>>) offsets(%arg8 : memref<6400xi32, #tpu.memory_space<vmem>>) semaphore(%arg13 : memref<!tpu.dma_semaphore, #tpu.memory_space<semaphore_mem>>)
      %dma_wait3A = arith.constant 0 : i32
      %dma_wait3A_44 = arith.constant 0 : i32
      %dma_wait3A_45 = tpu.memref_slice %arg2[%dma_wait3A, %dma_wait3A_44] : memref<51200x8xf32, #tpu.memory_space<hbm>> -> memref<51200x8xf32, #tpu.memory_space<hbm>>
      tpu.wait_indirect_dma semaphore(%arg13 : memref<!tpu.dma_semaphore, #tpu.memory_space<semaphore_mem>>) src(%dma_wait3A_45 : memref<51200x8xf32, #tpu.memory_space<hbm>>) dst(%arg10 : memref<6400x8xf32, #tpu.memory_space<vmem>>)
      "tpu.region"() ({
        %run_scoped3A = tpu.sem_alloc : memref<!tpu.dma_semaphore, #tpu.memory_space<semaphore_mem>>
        %dma_start3A_46 = arith.constant 0 : i32
        %dma_start3A_47 = arith.constant 0 : i32
        %dma_start3A_48 = tpu.memref_slice %arg12[%dma_start3A_46, %dma_start3A_47] : memref<51200x8xf32, #tpu.memory_space<vmem_shared>> -> memref<51200x8xf32, #tpu.memory_space<vmem_shared>>
        tpu.enqueue_indirect_dma source(%arg10 : memref<6400x8xf32, #tpu.memory_space<vmem>>) target(%dma_start3A_48 : memref<51200x8xf32, #tpu.memory_space<vmem_shared>>) offsets(%arg9 : memref<6400xi32, #tpu.memory_space<vmem>>) semaphore(%run_scoped3A : memref<!tpu.dma_semaphore, #tpu.memory_space<semaphore_mem>>) {add = true}
        %dma_wait3A_49 = arith.constant 0 : i32
        %dma_wait3A_50 = arith.constant 0 : i32
        %dma_wait3A_51 = tpu.memref_slice %arg12[%dma_wait3A_49, %dma_wait3A_50] : memref<51200x8xf32, #tpu.memory_space<vmem_shared>> -> memref<51200x8xf32, #tpu.memory_space<vmem_shared>>
        tpu.wait_indirect_dma semaphore(%run_scoped3A : memref<!tpu.dma_semaphore, #tpu.memory_space<semaphore_mem>>) src(%arg10 : memref<6400x8xf32, #tpu.memory_space<vmem>>) dst(%dma_wait3A_51 : memref<51200x8xf32, #tpu.memory_space<vmem_shared>>)
        tpu.yield
      }) : () -> ()
    }
    %while3A_25 = arith.constant 1 : i32
    scf.for %while3A_34 = %while3A_23 to %while3A_19 step %while3A_25  : i32 {
      %mul3A_35 = arith.muli %while3A_34, %while3A : i32
      %add3A_36 = arith.addi %add3A, %mul3A_35 : i32
      %mul3A_37 = arith.constant 6400 : i32
      %mul3A_38 = arith.muli %add3A_36, %mul3A_37 : i32
      "tpu.region"() ({
        %run_scoped3A = tpu.sem_alloc : memref<!tpu.dma_semaphore, #tpu.memory_space<semaphore_mem>>
        %dma_start3A_46 = tpu.memref_slice %arg3[%mul3A_38] : memref<1600000xi32, #tpu.memory_space<hbm>> -> memref<6400xi32, #tpu.memory_space<hbm>>
        %dma_start3A_47 = tpu.memref_slice %arg3[%mul3A_38] : memref<1600000xi32, #tpu.memory_space<hbm>> -> memref<6400xi32, #tpu.memory_space<hbm>>
        tpu.enqueue_dma source(%dma_start3A_47 : memref<6400xi32, #tpu.memory_space<hbm>>) target(%arg8 : memref<6400xi32, #tpu.memory_space<vmem>>) target_semaphore(%run_scoped3A : memref<!tpu.dma_semaphore, #tpu.memory_space<semaphore_mem>>)
        %dma_wait3A_48 = tpu.memref_slice %arg3[%mul3A_38] : memref<1600000xi32, #tpu.memory_space<hbm>> -> memref<6400xi32, #tpu.memory_space<hbm>>
        %dma_wait3A_49 = tpu.memref_slice %arg3[%mul3A_38] : memref<1600000xi32, #tpu.memory_space<hbm>> -> memref<6400xi32, #tpu.memory_space<hbm>>
        tpu.wait_dma2 semaphore(%run_scoped3A : memref<!tpu.dma_semaphore, #tpu.memory_space<semaphore_mem>>) src(%dma_wait3A_49 : memref<6400xi32, #tpu.memory_space<hbm>>) dst(%arg8 : memref<6400xi32, #tpu.memory_space<vmem>>)
        tpu.yield
      }) : () -> ()
      %mul3A_39 = arith.constant 1600000 : i32
      %mul3A_40 = arith.muli %arg0, %mul3A_39 : i32
      %add3A_41 = arith.addi %mul3A_40, %mul3A_38 : i32
      "tpu.region"() ({
        %run_scoped3A = tpu.sem_alloc : memref<!tpu.dma_semaphore, #tpu.memory_space<semaphore_mem>>
        %dma_start3A_46 = tpu.memref_slice %arg4[%add3A_41] : memref<3200000xi32, #tpu.memory_space<hbm>> -> memref<6400xi32, #tpu.memory_space<hbm>>
        %dma_start3A_47 = tpu.memref_slice %arg4[%add3A_41] : memref<3200000xi32, #tpu.memory_space<hbm>> -> memref<6400xi32, #tpu.memory_space<hbm>>
        tpu.enqueue_dma source(%dma_start3A_47 : memref<6400xi32, #tpu.memory_space<hbm>>) target(%arg9 : memref<6400xi32, #tpu.memory_space<vmem>>) target_semaphore(%run_scoped3A : memref<!tpu.dma_semaphore, #tpu.memory_space<semaphore_mem>>)
        %dma_wait3A_48 = tpu.memref_slice %arg4[%add3A_41] : memref<3200000xi32, #tpu.memory_space<hbm>> -> memref<6400xi32, #tpu.memory_space<hbm>>
        %dma_wait3A_49 = tpu.memref_slice %arg4[%add3A_41] : memref<3200000xi32, #tpu.memory_space<hbm>> -> memref<6400xi32, #tpu.memory_space<hbm>>
        tpu.wait_dma2 semaphore(%run_scoped3A : memref<!tpu.dma_semaphore, #tpu.memory_space<semaphore_mem>>) src(%dma_wait3A_49 : memref<6400xi32, #tpu.memory_space<hbm>>) dst(%arg9 : memref<6400xi32, #tpu.memory_space<vmem>>)
        tpu.yield
      }) : () -> ()
      %dma_start3A = arith.constant 0 : i32
      %dma_start3A_42 = arith.constant 0 : i32
      %dma_start3A_43 = tpu.memref_slice %arg2[%dma_start3A, %dma_start3A_42] : memref<51200x8xf32, #tpu.memory_space<hbm>> -> memref<51200x8xf32, #tpu.memory_space<hbm>>
      tpu.enqueue_indirect_dma source(%dma_start3A_43 : memref<51200x8xf32, #tpu.memory_space<hbm>>) target(%arg10 : memref<6400x8xf32, #tpu.memory_space<vmem>>) offsets(%arg8 : memref<6400xi32, #tpu.memory_space<vmem>>) semaphore(%arg13 : memref<!tpu.dma_semaphore, #tpu.memory_space<semaphore_mem>>)
      %dma_wait3A = arith.constant 0 : i32
      %dma_wait3A_44 = arith.constant 0 : i32
      %dma_wait3A_45 = tpu.memref_slice %arg2[%dma_wait3A, %dma_wait3A_44] : memref<51200x8xf32, #tpu.memory_space<hbm>> -> memref<51200x8xf32, #tpu.memory_space<hbm>>
      tpu.wait_indirect_dma semaphore(%arg13 : memref<!tpu.dma_semaphore, #tpu.memory_space<semaphore_mem>>) src(%dma_wait3A_45 : memref<51200x8xf32, #tpu.memory_space<hbm>>) dst(%arg10 : memref<6400x8xf32, #tpu.memory_space<vmem>>)
      "tpu.region"() ({
        %run_scoped3A = tpu.sem_alloc : memref<!tpu.dma_semaphore, #tpu.memory_space<semaphore_mem>>
        %dma_start3A_46 = arith.constant 0 : i32
        %dma_start3A_47 = arith.constant 0 : i32
        %dma_start3A_48 = tpu.memref_slice %arg12[%dma_start3A_46, %dma_start3A_47] : memref<51200x8xf32, #tpu.memory_space<vmem_shared>> -> memref<51200x8xf32, #tpu.memory_space<vmem_shared>>
        tpu.enqueue_indirect_dma source(%arg10 : memref<6400x8xf32, #tpu.memory_space<vmem>>) target(%dma_start3A_48 : memref<51200x8xf32, #tpu.memory_space<vmem_shared>>) offsets(%arg9 : memref<6400xi32, #tpu.memory_space<vmem>>) semaphore(%run_scoped3A : memref<!tpu.dma_semaphore, #tpu.memory_space<semaphore_mem>>) {add = true}
        %dma_wait3A_49 = arith.constant 0 : i32
        %dma_wait3A_50 = arith.constant 0 : i32
        %dma_wait3A_51 = tpu.memref_slice %arg12[%dma_wait3A_49, %dma_wait3A_50] : memref<51200x8xf32, #tpu.memory_space<vmem_shared>> -> memref<51200x8xf32, #tpu.memory_space<vmem_shared>>
        tpu.wait_indirect_dma semaphore(%run_scoped3A : memref<!tpu.dma_semaphore, #tpu.memory_space<semaphore_mem>>) src(%arg10 : memref<6400x8xf32, #tpu.memory_space<vmem>>) dst(%dma_wait3A_51 : memref<51200x8xf32, #tpu.memory_space<vmem_shared>>)
        tpu.yield
      }) : () -> ()
    }
    %barrier3A_26 = arith.constant 0 : index
    tpu.barrier barrier_id(%barrier3A_26)
    %mul3A_27 = arith.constant 3136 : i32
    %mul3A_28 = arith.muli %arg1, %mul3A_27 : i32
    %mul3A_29 = arith.constant 50176 : i32
    %mul3A_30 = arith.muli %arg0, %mul3A_29 : i32
    %mul3A_31 = arith.constant 3136 : i32
    %mul3A_32 = arith.muli %arg1, %mul3A_31 : i32
    %add3A_33 = arith.addi %mul3A_30, %mul3A_32 : i32
    "tpu.region"() ({
      %run_scoped3A = tpu.sem_alloc : memref<!tpu.dma_semaphore, #tpu.memory_space<semaphore_mem>>
      %dma_start3A = arith.constant 0 : i32
      %dma_start3A_34 = tpu.memref_slice %arg7[%add3A_33, %dma_start3A] : memref<100352x8xf32, #tpu.memory_space<hbm>> -> memref<3136x8xf32, #tpu.memory_space<hbm>>
      %dma_start3A_35 = arith.constant 0 : i32
      %dma_start3A_36 = tpu.memref_slice %arg12[%mul3A_28, %dma_start3A_35] : memref<51200x8xf32, #tpu.memory_space<vmem_shared>> -> memref<3136x8xf32, #tpu.memory_space<vmem_shared>>
      tpu.enqueue_dma source(%dma_start3A_36 : memref<3136x8xf32, #tpu.memory_space<vmem_shared>>) target(%dma_start3A_34 : memref<3136x8xf32, #tpu.memory_space<hbm>>) target_semaphore(%run_scoped3A : memref<!tpu.dma_semaphore, #tpu.memory_space<semaphore_mem>>)
      %dma_wait3A = arith.constant 0 : i32
      %dma_wait3A_37 = tpu.memref_slice %arg7[%add3A_33, %dma_wait3A] : memref<100352x8xf32, #tpu.memory_space<hbm>> -> memref<3136x8xf32, #tpu.memory_space<hbm>>
      %dma_wait3A_38 = arith.constant 0 : i32
      %dma_wait3A_39 = tpu.memref_slice %arg12[%mul3A_28, %dma_wait3A_38] : memref<51200x8xf32, #tpu.memory_space<vmem_shared>> -> memref<3136x8xf32, #tpu.memory_space<vmem_shared>>
      tpu.wait_dma2 semaphore(%run_scoped3A : memref<!tpu.dma_semaphore, #tpu.memory_space<semaphore_mem>>) src(%dma_wait3A_39 : memref<3136x8xf32, #tpu.memory_space<vmem_shared>>) dst(%dma_wait3A_37 : memref<3136x8xf32, #tpu.memory_space<hbm>>)
      tpu.yield
    }) : () -> ()
    return
  }
}

module attributes {stable_mosaic.version = 14 : i64} {
  func.func @_table_body(%arg0: i32, %arg1: memref<1x2048xf32, #tpu.memory_space<vmem>>, %arg2: memref<2048x8xf32, #tpu.memory_space<vmem>>) attributes {dimension_semantics = [#tpu.dimension_semantics<arbitrary>], iteration_bounds = array<i64: 25>, scalar_prefetch = 0 : i64, scratch_operands = 0 : i64, tpu.core_type = #tpu.core_type<tc>, window_params = [{transform_indices = @transform_0, window_bounds = array<i64: 1, 2048>}, {transform_indices = @transform_1, window_bounds = array<i64: 2048, 8>}]} {
    %get3A = arith.constant 0 : index
    %get3A_0 = arith.constant 0 : index
    %get3A_1 = vector.load %arg1[%get3A, %get3A_0] : memref<1x2048xf32, #tpu.memory_space<vmem>>, vector<1x2048xf32>
    %div3A = arith.constant 1.000000e+00 : f32
    %div3A_2 = vector.broadcast %div3A : f32 to vector<1x2048xf32>
    %div3A_3 = arith.divf %div3A_2, %get3A_1 : vector<1x2048xf32>
    %neg3A = arith.constant 0.000000e+00 : f32
    %neg3A_4 = vector.broadcast %neg3A : f32 to vector<1x2048xf32>
    %neg3A_5 = arith.subf %neg3A_4, %div3A_3 : vector<1x2048xf32>
    %exp3A = math.exp %neg3A_5 : vector<1x2048xf32>
    %mul3A = arith.mulf %div3A_3, %exp3A : vector<1x2048xf32>
    %mul3A_6 = arith.mulf %mul3A, %exp3A : vector<1x2048xf32>
    %mul3A_7 = arith.mulf %mul3A_6, %exp3A : vector<1x2048xf32>
    %mul3A_8 = arith.mulf %mul3A_7, %exp3A : vector<1x2048xf32>
    %mul3A_9 = arith.mulf %mul3A_8, %exp3A : vector<1x2048xf32>
    %mul3A_10 = arith.constant 1.000000e+00 : f32
    %mul3A_11 = vector.broadcast %mul3A_10 : f32 to vector<1x2048xf32>
    %mul3A_12 = arith.mulf %div3A_3, %mul3A_11 : vector<1x2048xf32>
    %mul3A_13 = arith.constant 1.000000e+00 : f32
    %mul3A_14 = vector.broadcast %mul3A_13 : f32 to vector<1x2048xf32>
    %mul3A_15 = arith.mulf %mul3A, %mul3A_14 : vector<1x2048xf32>
    %add3A = arith.addf %mul3A_12, %mul3A_15 : vector<1x2048xf32>
    %mul3A_16 = arith.constant 1.000000e+00 : f32
    %mul3A_17 = vector.broadcast %mul3A_16 : f32 to vector<1x2048xf32>
    %mul3A_18 = arith.mulf %mul3A_6, %mul3A_17 : vector<1x2048xf32>
    %add3A_19 = arith.addf %add3A, %mul3A_18 : vector<1x2048xf32>
    %mul3A_20 = arith.constant 1.000000e+00 : f32
    %mul3A_21 = vector.broadcast %mul3A_20 : f32 to vector<1x2048xf32>
    %mul3A_22 = arith.mulf %mul3A_7, %mul3A_21 : vector<1x2048xf32>
    %add3A_23 = arith.addf %add3A_19, %mul3A_22 : vector<1x2048xf32>
    %mul3A_24 = arith.constant 1.000000e+00 : f32
    %mul3A_25 = vector.broadcast %mul3A_24 : f32 to vector<1x2048xf32>
    %mul3A_26 = arith.mulf %mul3A_8, %mul3A_25 : vector<1x2048xf32>
    %add3A_27 = arith.addf %add3A_23, %mul3A_26 : vector<1x2048xf32>
    %mul3A_28 = arith.constant 1.000000e+00 : f32
    %mul3A_29 = vector.broadcast %mul3A_28 : f32 to vector<1x2048xf32>
    %mul3A_30 = arith.mulf %mul3A_9, %mul3A_29 : vector<1x2048xf32>
    %add3A_31 = arith.addf %add3A_27, %mul3A_30 : vector<1x2048xf32>
    %broadcast_in_dim3A = arith.constant 0.000000e+00 : f32
    %broadcast_in_dim3A_32 = vector.broadcast %broadcast_in_dim3A : f32 to vector<1x2048xf32>
    %mul3A_33 = arith.mulf %add3A_31, %add3A_31 : vector<1x2048xf32>
    %mul3A_34 = arith.mulf %broadcast_in_dim3A_32, %broadcast_in_dim3A_32 : vector<1x2048xf32>
    %add3A_35 = arith.addf %mul3A_33, %mul3A_34 : vector<1x2048xf32>
    %sqrt3A = math.sqrt %add3A_35 : vector<1x2048xf32>
    %add3A_36 = arith.constant 9.99999996E-13 : f32
    %add3A_37 = vector.broadcast %add3A_36 : f32 to vector<1x2048xf32>
    %add3A_38 = arith.addf %sqrt3A, %add3A_37 : vector<1x2048xf32>
    %log3A = math.log %add3A_38 : vector<1x2048xf32>
    %atan23A = math.atan2 %broadcast_in_dim3A_32, %add3A_31 : vector<1x2048xf32>
    %mul3A_39 = arith.constant 1.000000e+00 : f32
    %mul3A_40 = vector.broadcast %mul3A_39 : f32 to vector<1x2048xf32>
    %mul3A_41 = arith.mulf %div3A_3, %mul3A_40 : vector<1x2048xf32>
    %mul3A_42 = arith.constant 5.000000e-01 : f32
    %mul3A_43 = vector.broadcast %mul3A_42 : f32 to vector<1x2048xf32>
    %mul3A_44 = arith.mulf %mul3A, %mul3A_43 : vector<1x2048xf32>
    %mul3A_45 = arith.constant -0.866025388 : f32
    %mul3A_46 = vector.broadcast %mul3A_45 : f32 to vector<1x2048xf32>
    %mul3A_47 = arith.mulf %mul3A, %mul3A_46 : vector<1x2048xf32>
    %add3A_48 = arith.addf %mul3A_41, %mul3A_44 : vector<1x2048xf32>
    %mul3A_49 = arith.constant -5.000000e-01 : f32
    %mul3A_50 = vector.broadcast %mul3A_49 : f32 to vector<1x2048xf32>
    %mul3A_51 = arith.mulf %mul3A_6, %mul3A_50 : vector<1x2048xf32>
    %mul3A_52 = arith.constant -0.866025388 : f32
    %mul3A_53 = vector.broadcast %mul3A_52 : f32 to vector<1x2048xf32>
    %mul3A_54 = arith.mulf %mul3A_6, %mul3A_53 : vector<1x2048xf32>
    %add3A_55 = arith.addf %add3A_48, %mul3A_51 : vector<1x2048xf32>
    %add3A_56 = arith.addf %mul3A_47, %mul3A_54 : vector<1x2048xf32>
    %mul3A_57 = arith.constant -1.000000e+00 : f32
    %mul3A_58 = vector.broadcast %mul3A_57 : f32 to vector<1x2048xf32>
    %mul3A_59 = arith.mulf %mul3A_7, %mul3A_58 : vector<1x2048xf32>
    %mul3A_60 = arith.constant -1.22464685E-16 : f32
    %mul3A_61 = vector.broadcast %mul3A_60 : f32 to vector<1x2048xf32>
    %mul3A_62 = arith.mulf %mul3A_7, %mul3A_61 : vector<1x2048xf32>
    %add3A_63 = arith.addf %add3A_55, %mul3A_59 : vector<1x2048xf32>
    %add3A_64 = arith.addf %add3A_56, %mul3A_62 : vector<1x2048xf32>
    %mul3A_65 = arith.constant -5.000000e-01 : f32
    %mul3A_66 = vector.broadcast %mul3A_65 : f32 to vector<1x2048xf32>
    %mul3A_67 = arith.mulf %mul3A_8, %mul3A_66 : vector<1x2048xf32>
    %mul3A_68 = arith.constant 0.866025388 : f32
    %mul3A_69 = vector.broadcast %mul3A_68 : f32 to vector<1x2048xf32>
    %mul3A_70 = arith.mulf %mul3A_8, %mul3A_69 : vector<1x2048xf32>
    %add3A_71 = arith.addf %add3A_63, %mul3A_67 : vector<1x2048xf32>
    %add3A_72 = arith.addf %add3A_64, %mul3A_70 : vector<1x2048xf32>
    %mul3A_73 = arith.constant 5.000000e-01 : f32
    %mul3A_74 = vector.broadcast %mul3A_73 : f32 to vector<1x2048xf32>
    %mul3A_75 = arith.mulf %mul3A_9, %mul3A_74 : vector<1x2048xf32>
    %mul3A_76 = arith.constant 0.866025388 : f32
    %mul3A_77 = vector.broadcast %mul3A_76 : f32 to vector<1x2048xf32>
    %mul3A_78 = arith.mulf %mul3A_9, %mul3A_77 : vector<1x2048xf32>
    %add3A_79 = arith.addf %add3A_71, %mul3A_75 : vector<1x2048xf32>
    %add3A_80 = arith.addf %add3A_72, %mul3A_78 : vector<1x2048xf32>
    %mul3A_81 = arith.mulf %add3A_79, %add3A_79 : vector<1x2048xf32>
    %mul3A_82 = arith.mulf %add3A_80, %add3A_80 : vector<1x2048xf32>
    %add3A_83 = arith.addf %mul3A_81, %mul3A_82 : vector<1x2048xf32>
    %sqrt3A_84 = math.sqrt %add3A_83 : vector<1x2048xf32>
    %add3A_85 = arith.constant 9.99999996E-13 : f32
    %add3A_86 = vector.broadcast %add3A_85 : f32 to vector<1x2048xf32>
    %add3A_87 = arith.addf %sqrt3A_84, %add3A_86 : vector<1x2048xf32>
    %log3A_88 = math.log %add3A_87 : vector<1x2048xf32>
    %atan23A_89 = math.atan2 %add3A_80, %add3A_79 : vector<1x2048xf32>
    %mul3A_90 = arith.constant 1.000000e+00 : f32
    %mul3A_91 = vector.broadcast %mul3A_90 : f32 to vector<1x2048xf32>
    %mul3A_92 = arith.mulf %div3A_3, %mul3A_91 : vector<1x2048xf32>
    %mul3A_93 = arith.constant -5.000000e-01 : f32
    %mul3A_94 = vector.broadcast %mul3A_93 : f32 to vector<1x2048xf32>
    %mul3A_95 = arith.mulf %mul3A, %mul3A_94 : vector<1x2048xf32>
    %mul3A_96 = arith.constant -0.866025388 : f32
    %mul3A_97 = vector.broadcast %mul3A_96 : f32 to vector<1x2048xf32>
    %mul3A_98 = arith.mulf %mul3A, %mul3A_97 : vector<1x2048xf32>
    %add3A_99 = arith.addf %mul3A_92, %mul3A_95 : vector<1x2048xf32>
    %mul3A_100 = arith.constant -5.000000e-01 : f32
    %mul3A_101 = vector.broadcast %mul3A_100 : f32 to vector<1x2048xf32>
    %mul3A_102 = arith.mulf %mul3A_6, %mul3A_101 : vector<1x2048xf32>
    %mul3A_103 = arith.constant 0.866025388 : f32
    %mul3A_104 = vector.broadcast %mul3A_103 : f32 to vector<1x2048xf32>
    %mul3A_105 = arith.mulf %mul3A_6, %mul3A_104 : vector<1x2048xf32>
    %add3A_106 = arith.addf %add3A_99, %mul3A_102 : vector<1x2048xf32>
    %add3A_107 = arith.addf %mul3A_98, %mul3A_105 : vector<1x2048xf32>
    %mul3A_108 = arith.constant 1.000000e+00 : f32
    %mul3A_109 = vector.broadcast %mul3A_108 : f32 to vector<1x2048xf32>
    %mul3A_110 = arith.mulf %mul3A_7, %mul3A_109 : vector<1x2048xf32>
    %mul3A_111 = arith.constant 2.44929371E-16 : f32
    %mul3A_112 = vector.broadcast %mul3A_111 : f32 to vector<1x2048xf32>
    %mul3A_113 = arith.mulf %mul3A_7, %mul3A_112 : vector<1x2048xf32>
    %add3A_114 = arith.addf %add3A_106, %mul3A_110 : vector<1x2048xf32>
    %add3A_115 = arith.addf %add3A_107, %mul3A_113 : vector<1x2048xf32>
    %mul3A_116 = arith.constant -5.000000e-01 : f32
    %mul3A_117 = vector.broadcast %mul3A_116 : f32 to vector<1x2048xf32>
    %mul3A_118 = arith.mulf %mul3A_8, %mul3A_117 : vector<1x2048xf32>
    %mul3A_119 = arith.constant -0.866025388 : f32
    %mul3A_120 = vector.broadcast %mul3A_119 : f32 to vector<1x2048xf32>
    %mul3A_121 = arith.mulf %mul3A_8, %mul3A_120 : vector<1x2048xf32>
    %add3A_122 = arith.addf %add3A_114, %mul3A_118 : vector<1x2048xf32>
    %add3A_123 = arith.addf %add3A_115, %mul3A_121 : vector<1x2048xf32>
    %mul3A_124 = arith.constant -5.000000e-01 : f32
    %mul3A_125 = vector.broadcast %mul3A_124 : f32 to vector<1x2048xf32>
    %mul3A_126 = arith.mulf %mul3A_9, %mul3A_125 : vector<1x2048xf32>
    %mul3A_127 = arith.constant 0.866025388 : f32
    %mul3A_128 = vector.broadcast %mul3A_127 : f32 to vector<1x2048xf32>
    %mul3A_129 = arith.mulf %mul3A_9, %mul3A_128 : vector<1x2048xf32>
    %add3A_130 = arith.addf %add3A_122, %mul3A_126 : vector<1x2048xf32>
    %add3A_131 = arith.addf %add3A_123, %mul3A_129 : vector<1x2048xf32>
    %mul3A_132 = arith.mulf %add3A_130, %add3A_130 : vector<1x2048xf32>
    %mul3A_133 = arith.mulf %add3A_131, %add3A_131 : vector<1x2048xf32>
    %add3A_134 = arith.addf %mul3A_132, %mul3A_133 : vector<1x2048xf32>
    %sqrt3A_135 = math.sqrt %add3A_134 : vector<1x2048xf32>
    %add3A_136 = arith.constant 9.99999996E-13 : f32
    %add3A_137 = vector.broadcast %add3A_136 : f32 to vector<1x2048xf32>
    %add3A_138 = arith.addf %sqrt3A_135, %add3A_137 : vector<1x2048xf32>
    %log3A_139 = math.log %add3A_138 : vector<1x2048xf32>
    %atan23A_140 = math.atan2 %add3A_131, %add3A_130 : vector<1x2048xf32>
    %mul3A_141 = arith.constant 1.000000e+00 : f32
    %mul3A_142 = vector.broadcast %mul3A_141 : f32 to vector<1x2048xf32>
    %mul3A_143 = arith.mulf %div3A_3, %mul3A_142 : vector<1x2048xf32>
    %mul3A_144 = arith.constant -1.000000e+00 : f32
    %mul3A_145 = vector.broadcast %mul3A_144 : f32 to vector<1x2048xf32>
    %mul3A_146 = arith.mulf %mul3A, %mul3A_145 : vector<1x2048xf32>
    %mul3A_147 = arith.constant -1.22464685E-16 : f32
    %mul3A_148 = vector.broadcast %mul3A_147 : f32 to vector<1x2048xf32>
    %mul3A_149 = arith.mulf %mul3A, %mul3A_148 : vector<1x2048xf32>
    %add3A_150 = arith.addf %mul3A_143, %mul3A_146 : vector<1x2048xf32>
    %mul3A_151 = arith.constant 1.000000e+00 : f32
    %mul3A_152 = vector.broadcast %mul3A_151 : f32 to vector<1x2048xf32>
    %mul3A_153 = arith.mulf %mul3A_6, %mul3A_152 : vector<1x2048xf32>
    %mul3A_154 = arith.constant 2.44929371E-16 : f32
    %mul3A_155 = vector.broadcast %mul3A_154 : f32 to vector<1x2048xf32>
    %mul3A_156 = arith.mulf %mul3A_6, %mul3A_155 : vector<1x2048xf32>
    %add3A_157 = arith.addf %add3A_150, %mul3A_153 : vector<1x2048xf32>
    %add3A_158 = arith.addf %mul3A_149, %mul3A_156 : vector<1x2048xf32>
    %mul3A_159 = arith.constant -1.000000e+00 : f32
    %mul3A_160 = vector.broadcast %mul3A_159 : f32 to vector<1x2048xf32>
    %mul3A_161 = arith.mulf %mul3A_7, %mul3A_160 : vector<1x2048xf32>
    %mul3A_162 = arith.constant -3.67394029E-16 : f32
    %mul3A_163 = vector.broadcast %mul3A_162 : f32 to vector<1x2048xf32>
    %mul3A_164 = arith.mulf %mul3A_7, %mul3A_163 : vector<1x2048xf32>
    %add3A_165 = arith.addf %add3A_157, %mul3A_161 : vector<1x2048xf32>
    %add3A_166 = arith.addf %add3A_158, %mul3A_164 : vector<1x2048xf32>
    %mul3A_167 = arith.constant 1.000000e+00 : f32
    %mul3A_168 = vector.broadcast %mul3A_167 : f32 to vector<1x2048xf32>
    %mul3A_169 = arith.mulf %mul3A_8, %mul3A_168 : vector<1x2048xf32>
    %mul3A_170 = arith.constant 4.89858741E-16 : f32
    %mul3A_171 = vector.broadcast %mul3A_170 : f32 to vector<1x2048xf32>
    %mul3A_172 = arith.mulf %mul3A_8, %mul3A_171 : vector<1x2048xf32>
    %add3A_173 = arith.addf %add3A_165, %mul3A_169 : vector<1x2048xf32>
    %add3A_174 = arith.addf %add3A_166, %mul3A_172 : vector<1x2048xf32>
    %mul3A_175 = arith.constant -1.000000e+00 : f32
    %mul3A_176 = vector.broadcast %mul3A_175 : f32 to vector<1x2048xf32>
    %mul3A_177 = arith.mulf %mul3A_9, %mul3A_176 : vector<1x2048xf32>
    %mul3A_178 = arith.constant -2.38868013E-15 : f32
    %mul3A_179 = vector.broadcast %mul3A_178 : f32 to vector<1x2048xf32>
    %mul3A_180 = arith.mulf %mul3A_9, %mul3A_179 : vector<1x2048xf32>
    %add3A_181 = arith.addf %add3A_173, %mul3A_177 : vector<1x2048xf32>
    %add3A_182 = arith.addf %add3A_174, %mul3A_180 : vector<1x2048xf32>
    %mul3A_183 = arith.mulf %add3A_181, %add3A_181 : vector<1x2048xf32>
    %mul3A_184 = arith.mulf %add3A_182, %add3A_182 : vector<1x2048xf32>
    %add3A_185 = arith.addf %mul3A_183, %mul3A_184 : vector<1x2048xf32>
    %sqrt3A_186 = math.sqrt %add3A_185 : vector<1x2048xf32>
    %add3A_187 = arith.constant 9.99999996E-13 : f32
    %add3A_188 = vector.broadcast %add3A_187 : f32 to vector<1x2048xf32>
    %add3A_189 = arith.addf %sqrt3A_186, %add3A_188 : vector<1x2048xf32>
    %log3A_190 = math.log %add3A_189 : vector<1x2048xf32>
    %atan23A_191 = math.atan2 %add3A_182, %add3A_181 : vector<1x2048xf32>
    %concatenate3A = tpu.concatenate %log3A, %log3A_88, %log3A_139, %log3A_190, %atan23A, %atan23A_89, %atan23A_140, %atan23A_191 in 0 : vector<1x2048xf32>, vector<1x2048xf32>, vector<1x2048xf32>, vector<1x2048xf32>, vector<1x2048xf32>, vector<1x2048xf32>, vector<1x2048xf32>, vector<1x2048xf32> -> vector<8x2048xf32>
    %transpose3A = tpu.transpose %concatenate3A, [1, 0] : vector<8x2048xf32> -> vector<2048x8xf32>
    %swap3A = arith.constant 0 : index
    %swap3A_192 = arith.constant 0 : index
    %swap3A_193 = vector.load %arg2[%swap3A, %swap3A_192] : memref<2048x8xf32, #tpu.memory_space<vmem>>, vector<2048x8xf32>
    tpu.vector_store %arg2[%swap3A, %swap3A_192], %transpose3A {strides = array<i32>} : memref<2048x8xf32, #tpu.memory_space<vmem>>, vector<2048x8xf32>,
    return
  }
  func.func @transform_0(%arg0: i32) -> (i32, i32) {
    %c0_i32 = arith.constant 0 : i32
    %c0_i32_0 = arith.constant 0 : i32
    return %c0_i32, %arg0 : i32, i32
  }
  func.func @transform_1(%arg0: i32) -> (i32, i32) {
    %c0_i32 = arith.constant 0 : i32
    %c0_i32_0 = arith.constant 0 : i32
    return %arg0, %c0_i32 : i32, i32
  }
}

module attributes {stable_mosaic.version = 14 : i64} {
  func.func @_post_body(%arg0: i32, %arg1: memref<2048x8xf32, #tpu.memory_space<vmem>>, %arg2: memref<6x2048xf32, #tpu.memory_space<vmem>>) attributes {dimension_semantics = [#tpu.dimension_semantics<arbitrary>], iteration_bounds = array<i64: 49>, scalar_prefetch = 0 : i64, scratch_operands = 0 : i64, tpu.core_type = #tpu.core_type<tc>, window_params = [{transform_indices = @transform_0, window_bounds = array<i64: 2048, 8>}, {transform_indices = @transform_1, window_bounds = array<i64: 6, 2048>}]} {
    %get3A = arith.constant 0 : index
    %get3A_0 = arith.constant 0 : index
    %get3A_1 = vector.load %arg1[%get3A, %get3A_0] : memref<2048x8xf32, #tpu.memory_space<vmem>>, vector<2048x8xf32>
    %transpose3A = tpu.transpose %get3A_1, [1, 0] : vector<2048x8xf32> -> vector<8x2048xf32>
    %slice3A = vector.extract_strided_slice %transpose3A {offsets = [0, 0], sizes = [1, 2048], strides = [1, 1]} : vector<8x2048xf32> to vector<1x2048xf32>
    %exp3A = math.exp %slice3A : vector<1x2048xf32>
    %slice3A_2 = vector.extract_strided_slice %transpose3A {offsets = [1, 0], sizes = [1, 2048], strides = [1, 1]} : vector<8x2048xf32> to vector<1x2048xf32>
    %exp3A_3 = math.exp %slice3A_2 : vector<1x2048xf32>
    %slice3A_4 = vector.extract_strided_slice %transpose3A {offsets = [2, 0], sizes = [1, 2048], strides = [1, 1]} : vector<8x2048xf32> to vector<1x2048xf32>
    %exp3A_5 = math.exp %slice3A_4 : vector<1x2048xf32>
    %slice3A_6 = vector.extract_strided_slice %transpose3A {offsets = [3, 0], sizes = [1, 2048], strides = [1, 1]} : vector<8x2048xf32> to vector<1x2048xf32>
    %exp3A_7 = math.exp %slice3A_6 : vector<1x2048xf32>
    %slice3A_8 = vector.extract_strided_slice %transpose3A {offsets = [4, 0], sizes = [1, 2048], strides = [1, 1]} : vector<8x2048xf32> to vector<1x2048xf32>
    %slice3A_9 = vector.extract_strided_slice %transpose3A {offsets = [5, 0], sizes = [1, 2048], strides = [1, 1]} : vector<8x2048xf32> to vector<1x2048xf32>
    %slice3A_10 = vector.extract_strided_slice %transpose3A {offsets = [6, 0], sizes = [1, 2048], strides = [1, 1]} : vector<8x2048xf32> to vector<1x2048xf32>
    %slice3A_11 = vector.extract_strided_slice %transpose3A {offsets = [7, 0], sizes = [1, 2048], strides = [1, 1]} : vector<8x2048xf32> to vector<1x2048xf32>
    %cos3A = math.cos %slice3A_8 : vector<1x2048xf32>
    %mul3A = arith.mulf %exp3A, %cos3A : vector<1x2048xf32>
    %cos3A_12 = math.cos %slice3A_9 : vector<1x2048xf32>
    %mul3A_13 = arith.mulf %exp3A_3, %cos3A_12 : vector<1x2048xf32>
    %cos3A_14 = math.cos %slice3A_10 : vector<1x2048xf32>
    %mul3A_15 = arith.mulf %exp3A_5, %cos3A_14 : vector<1x2048xf32>
    %cos3A_16 = math.cos %slice3A_11 : vector<1x2048xf32>
    %mul3A_17 = arith.mulf %exp3A_7, %cos3A_16 : vector<1x2048xf32>
    %sin3A = math.sin %slice3A_9 : vector<1x2048xf32>
    %mul3A_18 = arith.mulf %exp3A_3, %sin3A : vector<1x2048xf32>
    %sin3A_19 = math.sin %slice3A_10 : vector<1x2048xf32>
    %mul3A_20 = arith.mulf %exp3A_5, %sin3A_19 : vector<1x2048xf32>
    %mul3A_21 = arith.constant 1.000000e+00 : f32
    %mul3A_22 = vector.broadcast %mul3A_21 : f32 to vector<1x2048xf32>
    %mul3A_23 = arith.mulf %mul3A_22, %mul3A_17 : vector<1x2048xf32>
    %add3A = arith.addf %mul3A, %mul3A_23 : vector<1x2048xf32>
    %mul3A_24 = arith.constant 1.000000e+00 : f32
    %mul3A_25 = vector.broadcast %mul3A_24 : f32 to vector<1x2048xf32>
    %mul3A_26 = arith.mulf %mul3A_13, %mul3A_25 : vector<1x2048xf32>
    %mul3A_27 = arith.constant 0.000000e+00 : f32
    %mul3A_28 = vector.broadcast %mul3A_27 : f32 to vector<1x2048xf32>
    %mul3A_29 = arith.mulf %mul3A_18, %mul3A_28 : vector<1x2048xf32>
    %sub3A = arith.subf %mul3A_26, %mul3A_29 : vector<1x2048xf32>
    %mul3A_30 = arith.constant 2.000000e+00 : f32
    %mul3A_31 = vector.broadcast %mul3A_30 : f32 to vector<1x2048xf32>
    %mul3A_32 = arith.mulf %mul3A_31, %sub3A : vector<1x2048xf32>
    %add3A_33 = arith.addf %add3A, %mul3A_32 : vector<1x2048xf32>
    %mul3A_34 = arith.constant 1.000000e+00 : f32
    %mul3A_35 = vector.broadcast %mul3A_34 : f32 to vector<1x2048xf32>
    %mul3A_36 = arith.mulf %mul3A_15, %mul3A_35 : vector<1x2048xf32>
    %mul3A_37 = arith.constant 0.000000e+00 : f32
    %mul3A_38 = vector.broadcast %mul3A_37 : f32 to vector<1x2048xf32>
    %mul3A_39 = arith.mulf %mul3A_20, %mul3A_38 : vector<1x2048xf32>
    %sub3A_40 = arith.subf %mul3A_36, %mul3A_39 : vector<1x2048xf32>
    %mul3A_41 = arith.constant 2.000000e+00 : f32
    %mul3A_42 = vector.broadcast %mul3A_41 : f32 to vector<1x2048xf32>
    %mul3A_43 = arith.mulf %mul3A_42, %sub3A_40 : vector<1x2048xf32>
    %add3A_44 = arith.addf %add3A_33, %mul3A_43 : vector<1x2048xf32>
    %mul3A_45 = arith.constant 0.166666672 : f32
    %mul3A_46 = vector.broadcast %mul3A_45 : f32 to vector<1x2048xf32>
    %mul3A_47 = arith.mulf %add3A_44, %mul3A_46 : vector<1x2048xf32>
    %mul3A_48 = arith.constant -1.000000e+00 : f32
    %mul3A_49 = vector.broadcast %mul3A_48 : f32 to vector<1x2048xf32>
    %mul3A_50 = arith.mulf %mul3A_49, %mul3A_17 : vector<1x2048xf32>
    %add3A_51 = arith.addf %mul3A, %mul3A_50 : vector<1x2048xf32>
    %mul3A_52 = arith.constant 5.000000e-01 : f32
    %mul3A_53 = vector.broadcast %mul3A_52 : f32 to vector<1x2048xf32>
    %mul3A_54 = arith.mulf %mul3A_13, %mul3A_53 : vector<1x2048xf32>
    %mul3A_55 = arith.constant 0.866025388 : f32
    %mul3A_56 = vector.broadcast %mul3A_55 : f32 to vector<1x2048xf32>
    %mul3A_57 = arith.mulf %mul3A_18, %mul3A_56 : vector<1x2048xf32>
    %sub3A_58 = arith.subf %mul3A_54, %mul3A_57 : vector<1x2048xf32>
    %mul3A_59 = arith.constant 2.000000e+00 : f32
    %mul3A_60 = vector.broadcast %mul3A_59 : f32 to vector<1x2048xf32>
    %mul3A_61 = arith.mulf %mul3A_60, %sub3A_58 : vector<1x2048xf32>
    %add3A_62 = arith.addf %add3A_51, %mul3A_61 : vector<1x2048xf32>
    %mul3A_63 = arith.constant -5.000000e-01 : f32
    %mul3A_64 = vector.broadcast %mul3A_63 : f32 to vector<1x2048xf32>
    %mul3A_65 = arith.mulf %mul3A_15, %mul3A_64 : vector<1x2048xf32>
    %mul3A_66 = arith.constant 0.866025388 : f32
    %mul3A_67 = vector.broadcast %mul3A_66 : f32 to vector<1x2048xf32>
    %mul3A_68 = arith.mulf %mul3A_20, %mul3A_67 : vector<1x2048xf32>
    %sub3A_69 = arith.subf %mul3A_65, %mul3A_68 : vector<1x2048xf32>
    %mul3A_70 = arith.constant 2.000000e+00 : f32
    %mul3A_71 = vector.broadcast %mul3A_70 : f32 to vector<1x2048xf32>
    %mul3A_72 = arith.mulf %mul3A_71, %sub3A_69 : vector<1x2048xf32>
    %add3A_73 = arith.addf %add3A_62, %mul3A_72 : vector<1x2048xf32>
    %mul3A_74 = arith.constant 0.166666672 : f32
    %mul3A_75 = vector.broadcast %mul3A_74 : f32 to vector<1x2048xf32>
    %mul3A_76 = arith.mulf %add3A_73, %mul3A_75 : vector<1x2048xf32>
    %mul3A_77 = arith.constant 1.000000e+00 : f32
    %mul3A_78 = vector.broadcast %mul3A_77 : f32 to vector<1x2048xf32>
    %mul3A_79 = arith.mulf %mul3A_78, %mul3A_17 : vector<1x2048xf32>
    %add3A_80 = arith.addf %mul3A, %mul3A_79 : vector<1x2048xf32>
    %mul3A_81 = arith.constant -5.000000e-01 : f32
    %mul3A_82 = vector.broadcast %mul3A_81 : f32 to vector<1x2048xf32>
    %mul3A_83 = arith.mulf %mul3A_13, %mul3A_82 : vector<1x2048xf32>
    %mul3A_84 = arith.constant 0.866025388 : f32
    %mul3A_85 = vector.broadcast %mul3A_84 : f32 to vector<1x2048xf32>
    %mul3A_86 = arith.mulf %mul3A_18, %mul3A_85 : vector<1x2048xf32>
    %sub3A_87 = arith.subf %mul3A_83, %mul3A_86 : vector<1x2048xf32>
    %mul3A_88 = arith.constant 2.000000e+00 : f32
    %mul3A_89 = vector.broadcast %mul3A_88 : f32 to vector<1x2048xf32>
    %mul3A_90 = arith.mulf %mul3A_89, %sub3A_87 : vector<1x2048xf32>
    %add3A_91 = arith.addf %add3A_80, %mul3A_90 : vector<1x2048xf32>
    %mul3A_92 = arith.constant -5.000000e-01 : f32
    %mul3A_93 = vector.broadcast %mul3A_92 : f32 to vector<1x2048xf32>
    %mul3A_94 = arith.mulf %mul3A_15, %mul3A_93 : vector<1x2048xf32>
    %mul3A_95 = arith.constant -0.866025388 : f32
    %mul3A_96 = vector.broadcast %mul3A_95 : f32 to vector<1x2048xf32>
    %mul3A_97 = arith.mulf %mul3A_20, %mul3A_96 : vector<1x2048xf32>
    %sub3A_98 = arith.subf %mul3A_94, %mul3A_97 : vector<1x2048xf32>
    %mul3A_99 = arith.constant 2.000000e+00 : f32
    %mul3A_100 = vector.broadcast %mul3A_99 : f32 to vector<1x2048xf32>
    %mul3A_101 = arith.mulf %mul3A_100, %sub3A_98 : vector<1x2048xf32>
    %add3A_102 = arith.addf %add3A_91, %mul3A_101 : vector<1x2048xf32>
    %mul3A_103 = arith.constant 0.166666672 : f32
    %mul3A_104 = vector.broadcast %mul3A_103 : f32 to vector<1x2048xf32>
    %mul3A_105 = arith.mulf %add3A_102, %mul3A_104 : vector<1x2048xf32>
    %mul3A_106 = arith.constant -1.000000e+00 : f32
    %mul3A_107 = vector.broadcast %mul3A_106 : f32 to vector<1x2048xf32>
    %mul3A_108 = arith.mulf %mul3A_107, %mul3A_17 : vector<1x2048xf32>
    %add3A_109 = arith.addf %mul3A, %mul3A_108 : vector<1x2048xf32>
    %mul3A_110 = arith.constant -1.000000e+00 : f32
    %mul3A_111 = vector.broadcast %mul3A_110 : f32 to vector<1x2048xf32>
    %mul3A_112 = arith.mulf %mul3A_13, %mul3A_111 : vector<1x2048xf32>
    %mul3A_113 = arith.constant 1.22464685E-16 : f32
    %mul3A_114 = vector.broadcast %mul3A_113 : f32 to vector<1x2048xf32>
    %mul3A_115 = arith.mulf %mul3A_18, %mul3A_114 : vector<1x2048xf32>
    %sub3A_116 = arith.subf %mul3A_112, %mul3A_115 : vector<1x2048xf32>
    %mul3A_117 = arith.constant 2.000000e+00 : f32
    %mul3A_118 = vector.broadcast %mul3A_117 : f32 to vector<1x2048xf32>
    %mul3A_119 = arith.mulf %mul3A_118, %sub3A_116 : vector<1x2048xf32>
    %add3A_120 = arith.addf %add3A_109, %mul3A_119 : vector<1x2048xf32>
    %mul3A_121 = arith.constant 1.000000e+00 : f32
    %mul3A_122 = vector.broadcast %mul3A_121 : f32 to vector<1x2048xf32>
    %mul3A_123 = arith.mulf %mul3A_15, %mul3A_122 : vector<1x2048xf32>
    %mul3A_124 = arith.constant -2.44929371E-16 : f32
    %mul3A_125 = vector.broadcast %mul3A_124 : f32 to vector<1x2048xf32>
    %mul3A_126 = arith.mulf %mul3A_20, %mul3A_125 : vector<1x2048xf32>
    %sub3A_127 = arith.subf %mul3A_123, %mul3A_126 : vector<1x2048xf32>
    %mul3A_128 = arith.constant 2.000000e+00 : f32
    %mul3A_129 = vector.broadcast %mul3A_128 : f32 to vector<1x2048xf32>
    %mul3A_130 = arith.mulf %mul3A_129, %sub3A_127 : vector<1x2048xf32>
    %add3A_131 = arith.addf %add3A_120, %mul3A_130 : vector<1x2048xf32>
    %mul3A_132 = arith.constant 0.166666672 : f32
    %mul3A_133 = vector.broadcast %mul3A_132 : f32 to vector<1x2048xf32>
    %mul3A_134 = arith.mulf %add3A_131, %mul3A_133 : vector<1x2048xf32>
    %mul3A_135 = arith.constant 1.000000e+00 : f32
    %mul3A_136 = vector.broadcast %mul3A_135 : f32 to vector<1x2048xf32>
    %mul3A_137 = arith.mulf %mul3A_136, %mul3A_17 : vector<1x2048xf32>
    %add3A_138 = arith.addf %mul3A, %mul3A_137 : vector<1x2048xf32>
    %mul3A_139 = arith.constant -5.000000e-01 : f32
    %mul3A_140 = vector.broadcast %mul3A_139 : f32 to vector<1x2048xf32>
    %mul3A_141 = arith.mulf %mul3A_13, %mul3A_140 : vector<1x2048xf32>
    %mul3A_142 = arith.constant -0.866025388 : f32
    %mul3A_143 = vector.broadcast %mul3A_142 : f32 to vector<1x2048xf32>
    %mul3A_144 = arith.mulf %mul3A_18, %mul3A_143 : vector<1x2048xf32>
    %sub3A_145 = arith.subf %mul3A_141, %mul3A_144 : vector<1x2048xf32>
    %mul3A_146 = arith.constant 2.000000e+00 : f32
    %mul3A_147 = vector.broadcast %mul3A_146 : f32 to vector<1x2048xf32>
    %mul3A_148 = arith.mulf %mul3A_147, %sub3A_145 : vector<1x2048xf32>
    %add3A_149 = arith.addf %add3A_138, %mul3A_148 : vector<1x2048xf32>
    %mul3A_150 = arith.constant -5.000000e-01 : f32
    %mul3A_151 = vector.broadcast %mul3A_150 : f32 to vector<1x2048xf32>
    %mul3A_152 = arith.mulf %mul3A_15, %mul3A_151 : vector<1x2048xf32>
    %mul3A_153 = arith.constant 0.866025388 : f32
    %mul3A_154 = vector.broadcast %mul3A_153 : f32 to vector<1x2048xf32>
    %mul3A_155 = arith.mulf %mul3A_20, %mul3A_154 : vector<1x2048xf32>
    %sub3A_156 = arith.subf %mul3A_152, %mul3A_155 : vector<1x2048xf32>
    %mul3A_157 = arith.constant 2.000000e+00 : f32
    %mul3A_158 = vector.broadcast %mul3A_157 : f32 to vector<1x2048xf32>
    %mul3A_159 = arith.mulf %mul3A_158, %sub3A_156 : vector<1x2048xf32>
    %add3A_160 = arith.addf %add3A_149, %mul3A_159 : vector<1x2048xf32>
    %mul3A_161 = arith.constant 0.166666672 : f32
    %mul3A_162 = vector.broadcast %mul3A_161 : f32 to vector<1x2048xf32>
    %mul3A_163 = arith.mulf %add3A_160, %mul3A_162 : vector<1x2048xf32>
    %mul3A_164 = arith.constant -1.000000e+00 : f32
    %mul3A_165 = vector.broadcast %mul3A_164 : f32 to vector<1x2048xf32>
    %mul3A_166 = arith.mulf %mul3A_165, %mul3A_17 : vector<1x2048xf32>
    %add3A_167 = arith.addf %mul3A, %mul3A_166 : vector<1x2048xf32>
    %mul3A_168 = arith.constant 5.000000e-01 : f32
    %mul3A_169 = vector.broadcast %mul3A_168 : f32 to vector<1x2048xf32>
    %mul3A_170 = arith.mulf %mul3A_13, %mul3A_169 : vector<1x2048xf32>
    %mul3A_171 = arith.constant -0.866025388 : f32
    %mul3A_172 = vector.broadcast %mul3A_171 : f32 to vector<1x2048xf32>
    %mul3A_173 = arith.mulf %mul3A_18, %mul3A_172 : vector<1x2048xf32>
    %sub3A_174 = arith.subf %mul3A_170, %mul3A_173 : vector<1x2048xf32>
    %mul3A_175 = arith.constant 2.000000e+00 : f32
    %mul3A_176 = vector.broadcast %mul3A_175 : f32 to vector<1x2048xf32>
    %mul3A_177 = arith.mulf %mul3A_176, %sub3A_174 : vector<1x2048xf32>
    %add3A_178 = arith.addf %add3A_167, %mul3A_177 : vector<1x2048xf32>
    %mul3A_179 = arith.constant -5.000000e-01 : f32
    %mul3A_180 = vector.broadcast %mul3A_179 : f32 to vector<1x2048xf32>
    %mul3A_181 = arith.mulf %mul3A_15, %mul3A_180 : vector<1x2048xf32>
    %mul3A_182 = arith.constant -0.866025388 : f32
    %mul3A_183 = vector.broadcast %mul3A_182 : f32 to vector<1x2048xf32>
    %mul3A_184 = arith.mulf %mul3A_20, %mul3A_183 : vector<1x2048xf32>
    %sub3A_185 = arith.subf %mul3A_181, %mul3A_184 : vector<1x2048xf32>
    %mul3A_186 = arith.constant 2.000000e+00 : f32
    %mul3A_187 = vector.broadcast %mul3A_186 : f32 to vector<1x2048xf32>
    %mul3A_188 = arith.mulf %mul3A_187, %sub3A_185 : vector<1x2048xf32>
    %add3A_189 = arith.addf %add3A_178, %mul3A_188 : vector<1x2048xf32>
    %mul3A_190 = arith.constant 0.166666672 : f32
    %mul3A_191 = vector.broadcast %mul3A_190 : f32 to vector<1x2048xf32>
    %mul3A_192 = arith.mulf %add3A_189, %mul3A_191 : vector<1x2048xf32>
    %max3A = arith.constant 0.000000e+00 : f32
    %max3A_193 = vector.broadcast %max3A : f32 to vector<1x2048xf32>
    %max3A_194 = arith.maximumf %mul3A_192, %max3A_193 : vector<1x2048xf32>
    %max3A_195 = arith.constant 0.000000e+00 : f32
    %max3A_196 = vector.broadcast %max3A_195 : f32 to vector<1x2048xf32>
    %max3A_197 = arith.maximumf %mul3A_163, %max3A_196 : vector<1x2048xf32>
    %max3A_198 = arith.constant 0.000000e+00 : f32
    %max3A_199 = vector.broadcast %max3A_198 : f32 to vector<1x2048xf32>
    %max3A_200 = arith.maximumf %mul3A_134, %max3A_199 : vector<1x2048xf32>
    %max3A_201 = arith.constant 0.000000e+00 : f32
    %max3A_202 = vector.broadcast %max3A_201 : f32 to vector<1x2048xf32>
    %max3A_203 = arith.maximumf %mul3A_105, %max3A_202 : vector<1x2048xf32>
    %max3A_204 = arith.constant 0.000000e+00 : f32
    %max3A_205 = vector.broadcast %max3A_204 : f32 to vector<1x2048xf32>
    %max3A_206 = arith.maximumf %mul3A_76, %max3A_205 : vector<1x2048xf32>
    %max3A_207 = arith.constant 0.000000e+00 : f32
    %max3A_208 = vector.broadcast %max3A_207 : f32 to vector<1x2048xf32>
    %max3A_209 = arith.maximumf %mul3A_47, %max3A_208 : vector<1x2048xf32>
    %add3A_210 = arith.addf %max3A_194, %max3A_197 : vector<1x2048xf32>
    %add3A_211 = arith.addf %add3A_210, %max3A_200 : vector<1x2048xf32>
    %add3A_212 = arith.addf %add3A_211, %max3A_203 : vector<1x2048xf32>
    %add3A_213 = arith.addf %add3A_212, %max3A_206 : vector<1x2048xf32>
    %add3A_214 = arith.addf %add3A_213, %max3A_209 : vector<1x2048xf32>
    %div3A = arith.constant 1.000000e+00 : f32
    %div3A_215 = vector.broadcast %div3A : f32 to vector<1x2048xf32>
    %div3A_216 = arith.divf %div3A_215, %add3A_214 : vector<1x2048xf32>
    %mul3A_217 = arith.mulf %max3A_194, %div3A_216 : vector<1x2048xf32>
    %mul3A_218 = arith.mulf %max3A_197, %div3A_216 : vector<1x2048xf32>
    %mul3A_219 = arith.mulf %max3A_200, %div3A_216 : vector<1x2048xf32>
    %mul3A_220 = arith.mulf %max3A_203, %div3A_216 : vector<1x2048xf32>
    %mul3A_221 = arith.mulf %max3A_206, %div3A_216 : vector<1x2048xf32>
    %mul3A_222 = arith.mulf %max3A_209, %div3A_216 : vector<1x2048xf32>
    %concatenate3A = tpu.concatenate %mul3A_217, %mul3A_218, %mul3A_219, %mul3A_220, %mul3A_221, %mul3A_222 in 0 : vector<1x2048xf32>, vector<1x2048xf32>, vector<1x2048xf32>, vector<1x2048xf32>, vector<1x2048xf32>, vector<1x2048xf32> -> vector<6x2048xf32>
    %swap3A = arith.constant 0 : index
    %swap3A_223 = arith.constant 0 : index
    %swap3A_224 = vector.load %arg2[%swap3A, %swap3A_223] : memref<6x2048xf32, #tpu.memory_space<vmem>>, vector<6x2048xf32>
    tpu.vector_store %arg2[%swap3A, %swap3A_223], %concatenate3A {strides = array<i32>} : memref<6x2048xf32, #tpu.memory_space<vmem>>, vector<6x2048xf32>,
    return
  }
  func.func @transform_0(%arg0: i32) -> (i32, i32) {
    %c0_i32 = arith.constant 0 : i32
    %c0_i32_0 = arith.constant 0 : i32
    return %arg0, %c0_i32 : i32, i32
  }
  func.func @transform_1(%arg0: i32) -> (i32, i32) {
    %c0_i32 = arith.constant 0 : i32
    %c0_i32_0 = arith.constant 0 : i32
    return %c0_i32, %arg0 : i32, i32
  }
}

</mosaic_0001>

<sc_bundles>
// kernel: kernel.5.cloned.1.call-start
scs
__scs_entry_jumppad:
0x0: {  	(pc) =	sbr.rel $0x88, $3  }
0x1: {  	(tag) =	ssettag $0x0;
	lr =	simm.s32 $0x1  }
0x2: {  	[smem:$0x3F9E] =	sst lr;
	_ =	strace $0xD0000000  }
0x3: {  	_ = 	snop  }
0x4: {  	_ = 	snop  }
0x5: {  	_ = 	snop  }
0x6: {  	_ = 	snop  }
0x7: {  	_ = 	snop  }
__scs_overlays_trampoline_lowered:
0x8: {  	[smem:$0x3FAD] =	sst s0  }
0x9: {  	[smem:$0x3FAE] =	sst s1  }
0xa: {  	[smem:$0x3FAF] =	sst s2  }
0xb: {  	[smem:$0x3FB0] =	sst s3  }
0xc: {  	[smem:$0x3FB1] =	sst s4  }
0xd: {  	[smem:$0x3FB2] =	sst s5  }
0xe: {  	[smem:$0x3FB3] =	sst s6  }
0xf: {  	[smem:$0x3FB4] =	sst s7  }
0x10: {  	[smem:$0x3FB5] =	sst s8  }
0x11: {  	[smem:$0x3FB6] =	sst s9;
	s0 =	simm.s32 @!p0 $0x0  }
0x12: {  	s1 =	sld [smem:$0x3F9C];
	s0 =	simm.s32 @p0 $0x1  }
0x13: {  	[smem:$0x3FB7] =	sst s0;
	s0 =	simm.s32 @!p1 $0x0  }
0x14: {  	s2 =	sld [smem:$0x3F9B];
	s0 =	simm.s32 @p1 $0x1  }
0x15: {  	[smem:$0x3FB8] =	sst s0;
	s0 =	simm.s32 @!p2 $0x0  }
0x16: {  	s3 =	sld [smem:$0x3FDB];
	s0 =	simm.s32 @p2 $0x1  }
0x17: {  	s4 =	simm.s32 $0x1BF5;
	[smem:$0x3FBA] =	sst s0  }
0x18: {  	s0 =	sld [smem:$0x3F9D];
	_ =	swait.ge [sflag:s4], $0x0  }
0x19: {  	s7 =	sld [smem:$0x3F9E]  }
0x1a: {  	s8 =	sadd.s32 $0xFFFFE003, lr  }
0x1b: {  	s9 =	sadd.s32 $0xFFFFFEF7, lr;
	s5 =	simm.s32 $0xFFFFFFFF;
	p2 =	slt.u32 s8, $0xFFFFF086  }
0x1c: {  	p1 =	slt.u32 s9, $0xF7A;
	s5 =	simm.s32 @!p2 $0x0  }
0x1d: {  	s5 =	simm.s32 @p1 $0x1;
	p0 =	seq.s32 s7, s2  }
0x1e: {  	s7 =	smul.u32 @!p0 $0xF7A, s2;
	p2 =	seq.s32 @!p0 s5, $0x0  }
0x1f: {  	s9 =	smul.u32 $0xF7A, s1;
	s8 =	simm.s32 @!p0 $0x1BF5;
	p2 =	por !p2, p0  }
0x20: {  	[sflag:s8] =	ssyncset.s32 @!p0 $0xFFFFF086;
	s6 =	sadd.s32 @!p0 s3, s7;
	s7 =	simm.s32 @!p0 $0x108  }
0x21: {  	s3 =	sadd.s32 s3, s9;
	s6 =	sadd.s32 @!p0 $0x88, s6;
	s7 =	simm.s32 @p2 $0x1082  }
0x22: {  	[simem:s7], [sflag:s8] =	dma.local @!p0 [hbm:s6], $0xF7A  }
0x23: {  	s9 =	sor.u32 $0xD0000000, s2;
	s6 =	simm.s32 $0x108;
	_ =	swait.ge @!p0 [sflag:s8], $0x0  }
0x24: {  	s3 =	sadd.s32 $0x88, s3;
	s6 =	simm.s32 @!p1 $0x1082;
	[sflag:s4] =	ssyncset.s32 $0xFFFFF086  }
0x25: {  	[simem:s6], [sflag:s4] =	dma.local [hbm:s3], $0xF7A  }
0x26: {  	[smem:$0x3F9E] =	sst s1;
	(tag) =	ssettag s2;
	_ =	strace s9  }
0x27: {  	s1 =	sld [smem:$0x3FAE]  }
0x28: {  	s2 =	sld [smem:$0x3FAF]  }
0x29: {  	s4 =	sld [smem:$0x3FB1]  }
0x2a: {  	p0 =	seq.s32 s5, $0x0;
	s5 =	sld [smem:$0x3FB2]  }
0x2b: {  	s6 =	sld [smem:$0x3FB3]  }
0x2c: {  	s7 =	sld [smem:$0x3FB4]  }
0x2d: {  	s3 =	simm.s32 $0x108;
	s8 =	sld [smem:$0x3FB5]  }
0x2e: {  	s3 =	simm.s32 @!p0 $0x1082;
	s9 =	sld [smem:$0x3FB6]  }
0x2f: {  	lr =	sadd.s32 s0, s3;
	s0 =	sld [smem:$0x3FAD]  }
0x30: {  	s3 =	sld [smem:$0x3FB0]  }
0x31: {  	[smem:$0x3FB9] =	sst s10  }
0x32: {  	s10 =	sld [smem:$0x3FB7];
	_ =	sdelay $0x3  }
0x33: {  	p0 =	seq.s32 s10, $0x1;
	s10 =	sld [smem:$0x3FB9];
	_ =	sdelay $0x3  }
0x34: {  	[smem:$0x3FB9] =	sst s10  }
0x35: {  	s10 =	sld [smem:$0x3FB8];
	_ =	sdelay $0x3  }
0x36: {  	p1 =	seq.s32 s10, $0x1;
	s10 =	sld [smem:$0x3FB9];
	_ =	sdelay $0x3  }
0x37: {  	[smem:$0x3FB9] =	sst s10  }
0x38: {  	s10 =	sld [smem:$0x3FBA]  }
0x39: {  	_ = 	snop;
	(pc) =	sbr.ind lr, $3  }
0x3a: {  	_ = 	snop  }
0x3b: {  	_ = 	snop  }
0x3c: {  	p2 =	seq.s32 s10, $0x1;
	s10 =	sld [smem:$0x3FB9]  }
0x3d: {  	_ =	shalt  }
0x3e: {  	_ =	shalt  }
0x3f: {  	_ =	shalt  }
0x40: {  	_ =	shalt  }
0x41: {  	_ =	shalt  }
0x42: {  	_ =	shalt  }
0x43: {  	_ =	shalt  }
0x44: {  	_ =	shalt  }
0x45: {  	_ =	shalt  }
0x46: {  	_ =	shalt  }
0x47: {  	_ =	shalt  }
0x48: {  	_ =	shalt  }
0x49: {  	_ =	shalt  }
0x4a: {  	_ =	shalt  }
0x4b: {  	_ =	shalt  }
0x4c: {  	_ =	shalt  }
0x4d: {  	_ =	shalt  }
0x4e: {  	_ =	shalt  }
0x4f: {  	_ =	shalt  }
0x50: {  	_ =	shalt  }
0x51: {  	_ =	shalt  }
0x52: {  	_ =	shalt  }
0x53: {  	_ =	shalt  }
0x54: {  	_ =	shalt  }
0x55: {  	_ =	shalt  }
0x56: {  	_ =	shalt  }
0x57: {  	_ =	shalt  }
0x58: {  	_ =	shalt  }
0x59: {  	_ =	shalt  }
0x5a: {  	_ =	shalt  }
0x5b: {  	_ =	shalt  }
0x5c: {  	_ =	shalt  }
0x5d: {  	_ =	shalt  }
0x5e: {  	_ =	shalt  }
0x5f: {  	_ =	shalt  }
0x60: {  	_ =	shalt  }
0x61: {  	_ =	shalt  }
0x62: {  	_ =	shalt  }
0x63: {  	_ =	shalt  }
0x64: {  	_ =	shalt  }
0x65: {  	_ =	shalt  }
0x66: {  	_ =	shalt  }
0x67: {  	_ =	shalt  }
0x68: {  	_ =	shalt  }
0x69: {  	_ =	shalt  }
0x6a: {  	_ =	shalt  }
0x6b: {  	_ =	shalt  }
0x6c: {  	_ =	shalt  }
0x6d: {  	_ =	shalt  }
0x6e: {  	_ =	shalt  }
0x6f: {  	_ =	shalt  }
0x70: {  	_ =	shalt  }
0x71: {  	_ =	shalt  }
0x72: {  	_ =	shalt  }
0x73: {  	_ =	shalt  }
0x74: {  	_ =	shalt  }
0x75: {  	_ =	shalt  }
0x76: {  	_ =	shalt  }
0x77: {  	_ =	shalt  }
0x78: {  	_ =	shalt  }
0x79: {  	_ =	shalt  }
0x7a: {  	_ =	shalt  }
0x7b: {  	_ =	shalt  }
0x7c: {  	_ =	shalt  }
0x7d: {  	_ =	shalt  }
0x7e: {  	_ =	shalt  }
0x7f: {  	_ =	shalt  }
0x80: {  	_ =	shalt  }
0x81: {  	_ =	shalt  }
0x82: {  	_ =	shalt  }
0x83: {  	_ =	shalt  }
0x84: {  	_ =	shalt  }
0x85: {  	_ =	shalt  }
0x86: {  	_ =	shalt  }
0x87: {  	_ =	shalt  }
.Lfunc_end0:
.L_simem_size_0:
called_computation_lowered:
.L_overlay_start_0:
0x88: {  	s2 =	sld [smem:$0x3FD9]  }
0x89: {  	s3 =	sld [smem:$0x3FFE];
	_ =	sdelay $0x1  }
0x8a: {  	s1 =	srdreg.scid  }
0x8b: {  	s0 =	sand.u32 $0x1, s1  }
0x8c: {  	s17 =	sshll.u32 s0, $0xA;
	s2 =	sadd.s32 s3, s2  }
0x8d: {  	s2 =	sadd.s32 s2, s17  }
0x8e: {  	[smem:$0x3FC5] =	sst s2  }
0x8f: {  	_ = 	snop  }
0x90: {  	s2 =	sld [smem:$0x3FC7]  }
0x91: {  	s18 =	sld [smem:$0x3FD0];
	(tm) =	ssettm $0x1  }
0x92: {  	s4 =	sld [smem:$0x3FFB];
	_ =	sdelay $0x3  }
0x93: {  	_ =	strace s4  }
0x94: {  	s4 =	sld [smem:$0x3FFC];
	_ =	sdelay $0x3  }
0x95: {  	_ =	strace s4  }
0x96: {  	s4 =	sld [smem:$0x3FFD];
	_ =	sdelay $0x3  }
0x97: {  	_ =	strace s4  }
0x98: {  	_ =	strace $0x8FFFFFFF  }
0x99: {  	s19 =	sld [smem:$0x3FDB];
	_ =	sdelay $0x1  }
0x9a: {  	s5 =	simm.s32 $_scs_section_size  }
0x9b: {  	s6 =	simm.s32 $_size__tile_overlayer_lowered;
	s7 =	simm.s32 $_tile_overlayer_lowered  }
0x9c: {  	s22 =	simm.s32 $0x1BFF;
	s21 =	sshll.u32 s7, $0x1;
	s4 =	sadd.s32 s5, s19  }
0x9d: {  	s8 =	simm.s32 $0x0;
	s20 =	sshll.u32 s6, $0x1;
	s6 =	sadd.s32 s21, s4  }
0x9e: {  	[timem:s8], [sflag:s22] =	dma.local [hbm:s6], s20  }
0x9f: {  	_ =	swait.ge [sflag:s22], s20  }
0xa0: {  	s5 =	ssub.s32 $0x0, s20;
	[sflag:s22] =	ssyncset.done $0x0  }
0xa1: {  	[sflag:s22] =	ssyncadd.s32 s5;
	_ =	sdelay $0x1  }
0xa2: {  	s23 =	simm.s32 $0x1B8B  }
0xa3: {  	_ =	swait.ge [sflag:s23], $0x1  }
0xa4: {  	[sflag:s23] =	ssyncset.done $0x0  }
0xa5: {  	s25 =	simm.s32 $0x1B8E;
	s24 =	sld [smem:$0x3FFE];
	[sflag:s23] =	ssyncadd.s32 $0xFFFFFFFF  }
0xa6: {  	s26 =	simm.s32 $execute0_lowered;
	[smem:$0x3FD2] =	sst s25  }
0xa7: {  	s6 =	sshll.u32 s26, $0x1;
	_ =	strace $0x80000046;
	[dreg:$0x1] =	wrdreg $0xFFFFFFFF  }
0xa8: {  	s28 =	simm.s32 $_size_execute0_lowered;
	s4 =	sadd.s32 s4, s6;
	[dreg:$0x0] =	wrdreg $0x0  }
0xa9: {  	s6 =	sshll.u32 s28, $0x1;
	[dreg:$0x2] =	wrdreg s4  }
0xaa: {  	[dreg:$0x3] =	wrdreg s6  }
0xab: {  	[dreg:$0x4] =	wrdreg $0xC0  }
0xac: {  	_ =	task [dreg:s8], $0x5FFFF  }
0xad: {  	[dreg:$0x1] =	wrdreg $0xFFFFFFFF  }
0xae: {  	[dreg:$0x0] =	wrdreg $0x60  }
0xaf: {  	[dreg:$0x2] =	wrdreg s18  }
0xb0: {  	[dreg:$0x3] =	wrdreg s2  }
0xb1: {  	[dreg:$0x4] =	wrdreg s24  }
0xb2: {  	[dreg:$0x5] =	wrdreg $0xFA200  }
0xb3: {  	[dreg:$0x6] =	wrdreg $0x9  }
0xb4: {  	_ =	task.clear_ibuf [dreg:s8], $0x7FFFF;
	_ =	strace $0x90000046  }
0xb5: {  	s29 =	simm.s32 $0x9;
	_ =	strace $0x80000048  }
0xb6: {  	_ =	swait.ge [sflag:s29], $0x1  }
0xb7: {  	[sflag:s29] =	ssyncadd.s32 $0xFFFFFFFF  }
0xb8: {  	_ =	strace $0x90000048  }
0xb9: {  	_ =	sfence  }
0xba: {  	s30 =	sld [smem:$0x0];
	_ =	sdelay $0x2  }
0xbb: {  	s31 =	sshll.u32 s1, $0xD;
	s1 =	sshrl.u32 s1, $0x2  }
0xbc: {  	s3 =	sand.u32 $0x4000, s31;
	s1 =	sadd.s32 s1, s30  }
0xbd: {  	s0 =	sor.u32 s3, s0;
	s1 =	sshll.u32 s1, $0x11  }
0xbe: {  	s0 =	sor.u32 s1, s0  }
0xbf: {  	s0 =	sadd.s32 $0x8F2B, s0  }
0xc0: {  	[sflag:s0] =	ssyncadd.remote.s32 $0x1  }
0xc1: {  	_ =	sfence.sel $0xFFFF  }
0xc2: {  	[dreg:$0x0] =	wrdreg $0xFFFFFFFF;
	(pc) =	sbr.abs _section_cstart, $3  }
0xc3: {  	[dreg:$0x1] =	wrdreg $0xFFFFFFFF  }
0xc4: {  	_ =	task.clear_ibuf [dreg:s8], $0x2FFFF;
	_ =	strace $0x9FFFFFFF  }
0xc5: {  	(tm) =	ssettm $0x7FFFFFFF  }
tec
execute0_lowered:
.L_overlay_start_1:
0x0: {  	(tag) =	ssettag $0x1  }
0x1: {  	s2 =	rddreg [dreg:$0x0]  }
0x2: {  	s3 =	rddreg [dreg:$0x1]  }
0x3: {  	s4 =	rddreg [dreg:$0x2]  }
0x4: {  	s5 =	rddreg [dreg:$0x3]  }
0x5: {  	s0 =	stileid.u32;
	s1 =	rddreg [dreg:$0x4]  }
0x6: {  	s6 =	simm.s32 $0x0;
	s9 =	srdreg.scid;
	s16 =	simm.s32 $0x1900  }
0x7: {  	s17 =	simm.s32 $0x3200;
	s18 =	simm.s32 $0x1;
	s19 =	simm.s32 $0x0  }
0x8: {  	s8 =	smul.u32 $0x6200, s0;
	[smem:$0x7FF] =	sst s6;
	s9 =	sand.u32 $0x1, s9  }
0x9: {  	s11 =	smul.u32 $0xC40, s0;
	s31 =	sshll.u32 s0, $0x6;
	_ =	strace $0x80000047  }
0xa: {  	s29 =	sshll.u32 s9, $0x2;
	s12 =	ssub.s32 $0x2, s9;
	s14 =	smul.u32 $0xC400, s9  }
0xb: {  	s9 =	smul.u32 $0x186A00, s9;
	s7 =	sshrl.u32 s8, $0x3;
	s13 =	sshrl.u32 s12, $0x1  }
.Ltmp0:
0xc: {  	s11 =	sadd.s32 s11, s4;
	s15 =	sadd.s32 s8, s5;
	(pc) =	sbr.rel .LBB2_1-.Ltmp0, $4  }
0xd: {  	s10 =	sadd.s32 s7, s4;
	s7 =	sadd.s32 s29, s4;
	s12 =	ssub.s32 s12, s13  }
0xe: {  	s30 =	sadd.s32 s14, s11;
	s13 =	simm.s32 $0x2;
	s14 =	sor.u32 $0x1C02, s31  }
0xf: {  	s15 =	sshrl.u32 s15, $0x3;
	s7 =	sadd.s32 $0x61C00, s7;
	s8 =	sadd.s32 $0x61E00, s10  }
0x10: {  	s10 =	sadd.s32 $0x6E200, s30;
	s11 =	smax.u32 s12, $0x1;
	s12 =	simm.s32 $0xFA00  }
.LBB2_5:
0x11: {  	s21 =	sadd.s32 s3, s22;
	[sflag:s13] =	ssyncadd.s32 @p0 $0xFFFF3800  }
0x12: {  	[tilespmem:s6], [sflag:$0x2] =	stream.linear.gather [hbm4b:s21+s6], $0x1900, $0x38;
	[tilespmem:$0x15E20] =	vst v63  }
0x13: {  	s20 =	sadd.s32 s20, s9;
	_ =	swait.ge [sflag:s13], $0x1900  }
0x14: {  	s20 =	sshrl.u32 s20, $0x3;
	[sflag:s13] =	ssyncset.done $0x0  }
0x15: {  	s20 =	sadd.s32 s4, s20;
	[sflag:s13] =	ssyncadd.s32 $0xFFFFE700  }
0x16: {  	[tilespmem:s16], [sflag:$0x2] =	stream.linear.gather [hbm4b:s20+s6], $0x1900, $0x38;
	[tilespmem:$0x15E20] =	vst v63  }
0x17: {  	_ =	swait.ge [sflag:s13], $0x1900  }
0x18: {  	[sflag:s13] =	ssyncset.done $0x0  }
0x19: {  	[sflag:s13] =	ssyncadd.s32 $0xFFFFE700  }
0x1a: {  	[tilespmem:s17], [sflag:$0x1] =	stream.indirect.gather [hbm4b:s2+s16], $0x8, s6, s16, $0xb8;
	[tilespmem:$0x15E20] =	vst v63  }
0x1b: {  	_ =	swait.ge [sflag:s18], $0xC800  }
0x1c: {  	[sflag:s18] =	ssyncset.done $0x0  }
0x1d: {  	[sflag:s18] =	ssyncadd.s32 $0xFFFF3800  }
0x1e: {  	[spmem:s5] =	stream.indirect.scatter.add.f32 [tilespmem:s17], [sflag:$0x2], $0x8, s16, s16, $0xb8;
	[tilespmem:$0x15E20] =	vst v63  }
0x1f: {  	_ =	swait.ge [sflag:s13], $0xC800  }
0x20: {  	[sflag:s13] =	ssyncset.done $0x0  }
0x21: {  	[sflag:s13] =	ssyncadd.s32 $0xFFFF3800  }
.LBB2_6:
0x22: {  	s19 =	sadd.s32 $0x1, s19  }
0x23: {  	p0 =	sne.s32 s19, s11  }
.Ltmp1:
0x24: {  	[bflag:$0x0] =	sbarrier.arrive $0xFFFF;
	(pc) =	sbr.rel @!p0 .LBB2_7-.Ltmp1, $4  }
0x25: {  	[hbm:s10], [sflag:s14] =	dma.local [spmem:s15], $0xC40  }
0x26: {  	_ =	swait.ge [sflag:s13], $0xC40  }
0x27: {  	[sflag:s13] =	ssyncset.done $0x0  }
0x28: {  	[sflag:s13] =	ssyncadd.s32 $0xFFFFF3C0  }
.LBB2_1:
0x29: {  	[tilespmem:s12], [sflag:$0x2] =	stream.linear.gather [hbm4b:s7+s6], $0x20, $0x38;
	[tilespmem:$0x15E20] =	vst v63  }
0x2a: {  	_ =	swait.ge [sflag:s13], $0x20  }
0x2b: {  	[sflag:s13] =	ssyncset.done $0x0  }
0x2c: {  	[sflag:s13] =	ssyncadd.s32 $0xFFFFFFE0  }
0x2d: {  	v0 =	vld [tilespmem:$0xFA10]  }
0x2e: {  	v1 =	vld [tilespmem:$0xFA00];
	_ =	sdelay $0x3  }
0x2f: {  	(v2sf) =	vpush v0, $0x0  }
0x30: {  	(v2sf) =	vpush v1, $0x0;
	_ =	sdelay $0xd  }
0x31: {  	s21 =	spop (v2sf)  }
0x32: {  	s20 =	spop (v2sf)  }
0x33: {  	[spmem:s15], [sflag:s14] =	dma.local [hbm:s8], $0xC40  }
0x34: {  	s20 =	sadd.s32 s0, s20  }
0x35: {  	s21 =	ssub.s32 s21, s20  }
0x36: {  	s21 =	sadd.s32 $0xF, s21  }
0x37: {  	p0 =	slt.s32 s21, $0x10  }
.Ltmp2:
0x38: {  	_ =	swait.ge [sflag:s13], $0xC40;
	(pc) =	sbr.rel @p0 .LBB2_6-.Ltmp2, $3  }
0x39: {  	[sflag:s13] =	ssyncset.done $0x0  }
0x3a: {  	[sflag:s13] =	ssyncadd.s32 $0xFFFFF3C0  }
0x3b: {  	[bflag:$0x0] =	sbarrier.arrive $0xFFFF;
	_ =	sdelay $0x1  }
0x3c: {  	s22 =	sshra.s32 s21, $0x1F  }
0x3d: {  	s22 =	sshrl.u32 s22, $0x1C  }
0x3e: {  	s31 =	sadd.s32 s22, s21  }
0x3f: {  	s21 =	sshra.s32 s31, $0x4  }
0x40: {  	p1 =	sne.s32 s21, $0x1  }
.Ltmp3:
0x41: {  	_ = 	snop;
	(pc) =	sbr.rel @!p1 .LBB2_5-.Ltmp3, $3  }
0x42: {  	_ = 	snop  }
0x43: {  	s20 =	smul.u32 $0x1900, s20;
	_ =	sdelay $0x1  }
0x44: {  	p0 =	por $0x0, $0x0;
	s22 =	sshrl.u32 s20, $0x3;
	s21 =	sadd.s32 $0xFFFFFFFF, s21  }
0x45: {  	s22 =	sadd.s32 s3, s22  }
0x46: {  	[tilespmem:s6], [sflag:$0x2] =	stream.linear.gather [hbm4b:s22+s6], $0x1900, $0x38;
	[tilespmem:$0x15E20] =	vst v63  }
0x47: {  	s31 =	sadd.s32 s20, s9;
	_ =	swait.ge [sflag:s13], $0x1900  }
0x48: {  	s22 =	sshrl.u32 s31, $0x3;
	[sflag:s13] =	ssyncset.done $0x0  }
0x49: {  	s22 =	sadd.s32 s4, s22;
	[sflag:s13] =	ssyncadd.s32 $0xFFFFE700  }
0x4a: {  	[tilespmem:s16], [sflag:$0x2] =	stream.linear.gather [hbm4b:s22+s6], $0x1900, $0x38;
	[tilespmem:$0x15E20] =	vst v63  }
0x4b: {  	_ =	swait.ge [sflag:s13], $0x1900  }
0x4c: {  	[sflag:s13] =	ssyncset.done $0x0  }
0x4d: {  	[sflag:s13] =	ssyncadd.s32 $0xFFFFE700  }
0x4e: {  	[tilespmem:s17], [sflag:$0x1] =	stream.indirect.gather [hbm4b:s2+s16], $0x8, s6, s16, $0xb8;
	[tilespmem:$0x15E20] =	vst v63  }
0x4f: {  	p1 =	sne.s32 s21, $0x1;
	_ =	swait.ge [sflag:s18], $0xC800  }
.Ltmp4:
0x50: {  	[sflag:s18] =	ssyncset.done $0x0;
	(pc) =	sbr.rel @!p1 .LBB2_5-.Ltmp4, $4  }
0x51: {  	[sflag:s18] =	ssyncadd.s32 $0xFFFF3800  }
0x52: {  	[spmem:s5] =	stream.indirect.scatter.add.f32 [tilespmem:s17], [sflag:$0x2], $0x8, s16, s16, $0xb8;
	[tilespmem:$0x15E20] =	vst v63  }
0x53: {  	s21 =	sadd.s32 $0xFFFFFFFF, s21;
	s20 =	sadd.s32 $0x19000, s20;
	_ =	swait.ge [sflag:s13], $0xC800  }
0x54: {  	p0 =	por $0x1, $0x1;
	s22 =	sshrl.u32 s20, $0x3;
	[sflag:s13] =	ssyncset.done $0x0  }
.LBB2_4:
0x55: {  	p1 =	sne.s32 s21, $0x1;
	s22 =	sadd.s32 s3, s22;
	[sflag:s13] =	ssyncadd.s32 $0xFFFF3800  }
0x56: {  	[tilespmem:s6], [sflag:$0x2] =	stream.linear.gather [hbm4b:s22+s6], $0x1900, $0x38;
	[tilespmem:$0x15E20] =	vst v63  }
0x57: {  	s21 =	sadd.s32 $0xFFFFFFFF, s21;
	s22 =	sadd.s32 s20, s9;
	_ =	swait.ge [sflag:s13], $0x1900  }
0x58: {  	s22 =	sshrl.u32 s22, $0x3;
	[sflag:s13] =	ssyncset.done $0x0  }
0x59: {  	s22 =	sadd.s32 s4, s22;
	[sflag:s13] =	ssyncadd.s32 $0xFFFFE700  }
0x5a: {  	[tilespmem:s16], [sflag:$0x2] =	stream.linear.gather [hbm4b:s22+s6], $0x1900, $0x38;
	[tilespmem:$0x15E20] =	vst v63  }
0x5b: {  	_ =	swait.ge [sflag:s13], $0x1900  }
0x5c: {  	[sflag:s13] =	ssyncset.done $0x0  }
0x5d: {  	[sflag:s13] =	ssyncadd.s32 $0xFFFFE700  }
0x5e: {  	[tilespmem:s17], [sflag:$0x1] =	stream.indirect.gather [hbm4b:s2+s16], $0x8, s6, s16, $0xb8;
	[tilespmem:$0x15E20] =	vst v63  }
0x5f: {  	_ =	swait.ge [sflag:s18], $0xC800  }
.Ltmp5:
0x60: {  	[sflag:s18] =	ssyncset.done $0x0;
	(pc) =	sbr.rel @p1 .LBB2_4-.Ltmp5, $4  }
0x61: {  	[sflag:s18] =	ssyncadd.s32 $0xFFFF3800  }
0x62: {  	[spmem:s5] =	stream.indirect.scatter.add.f32 [tilespmem:s17], [sflag:$0x2], $0x8, s16, s16, $0xb8;
	[tilespmem:$0x15E20] =	vst v63  }
0x63: {  	s20 =	sadd.s32 $0x19000, s20;
	_ =	swait.ge [sflag:s13], $0xC800  }
0x64: {  	s22 =	sshrl.u32 s20, $0x3;
	[sflag:s13] =	ssyncset.done $0x0  }
.Ltmp6:
0x65: {  	_ = 	snop;
	(pc) =	sbr.rel .LBB2_5-.Ltmp6, $1  }
0x66: {  	_ =	sdelay $0x3  }
.LBB2_7:
0x67: {  	_ =	sfence.sel $0x180000  }
0x68: {  	[bflag:$0x0] =	sbarrier.arrive $0xFFFF  }
0x69: {  	p0 =	sne.s32 s0, $0x0;
	_ =	strace $0x90000047  }
0x6a: {  	s0 =	sadd.s32 @!p0 $0x100000, s1;
	[bflag:$0x2] =	sbarrier.arrive $0xFFFF  }
0x6b: {  	[sflag:s0] =	ssyncadd.tile.s32 @!p0 $0x1;
	_ =	shalt  }
.Lfunc_end2:
_tile_overlayer_lowered:
.L_overlay_start_2:
0x6c: {  	(tag) =	ssettag $0x2  }
0x6d: {  	s0 =	rddreg [dreg:$0x0];
	s2 =	stileid.u32  }
0x6e: {  	s1 =	rddreg [dreg:$0x1];
	p0 =	sne.s32 s2, $0x0  }
0x6f: {  	s3 =	rddreg [dreg:$0x2];
	[bflag:$0x3] =	sbarrier.arrive $0xFFFF;
	s2 =	simm.s32 @!p0 $0x1C02  }
0x70: {  	[timem:s3], [sflag:s2] =	dma.local @!p0 [hbm:s0], s1  }
0x71: {  	s0 =	simm.s32 @!p0 $0x2  }
0x72: {  	_ =	swait.ge @!p0 [sflag:s0], s1  }
0x73: {  	s1 =	ssub.s32 @!p0 $0x0, s1;
	[sflag:s0] =	ssyncset.done @!p0 $0x0  }
0x74: {  	[sflag:s0] =	ssyncadd.s32 @!p0 s1  }
0x75: {  	[bflag:$0x3] =	sbarrier.arrive $0xFFFF  }
0x76: {  	_ =	shalt  }

</sc_bundles>
